<compile_context>
chip_gen: v7x
topology: tpu7x:2x2x1
jax: 0.10.2.dev20260603
libtpu: 0.0.44.dev20260713+nightly
codegen_flags: <defaults>
</compile_context>

<pallas_src>
import jax
import jax.numpy as jnp
from jax import lax
from jax.experimental import pallas as pl
from jax.experimental.pallas import tpu as pltpu
from jax.experimental.pallas import tpu_sc as plsc

_N = 10000
_E = 320000
_MSG = 16
_HID = 16
_NT = 16

_NC, _NS = 2, 16
_NW = _NC * _NS
_EW = _E // _NW
_C = 400
_NCHUNK = _EW // _C
_RSTRIDE = 624
_RCOPY = 640


def _ytab_body(x_ref, w_ref, y_ref):
    y_ref[...] = jnp.dot(x_ref[...], w_ref[...],
                         preferred_element_type=jnp.float32)


def _ytab(x, w):
    rb = 2000
    return pl.pallas_call(
        _ytab_body,
        grid=(_N // rb,),
        in_specs=[pl.BlockSpec((rb, _HID), lambda i: (i, 0)),
                  pl.BlockSpec((_HID, _NT * _MSG), lambda i: (0, 0))],
        out_specs=pl.BlockSpec((rb, _NT * _MSG), lambda i: (i, 0)),
        out_shape=jax.ShapeDtypeStruct((_N, _NT * _MSG), jnp.float32),
    )(x, w)


_NBUF = 5


def _sc_body(y_hbm, ei_hbm, et_hbm, out_hbm,
             sfull, dfull, gfull, zbuf, rows, acc, gsems, ssems):
    c = lax.axis_index("c")
    s = lax.axis_index("s")
    wid = s * _NC + c
    base = wid * _EW
    row0 = s * _RSTRIDE

    cp_s = pltpu.async_copy(ei_hbm.at[0, pl.ds(base, _EW)], sfull, gsems[0])
    cp_t = pltpu.async_copy(et_hbm.at[pl.ds(base, _EW)], gfull, gsems[1])
    cp_d = pltpu.async_copy(ei_hbm.at[1, pl.ds(base, _EW)], dfull, gsems[2])

    zeros16 = jnp.zeros((16,), jnp.float32)

    def zrow(r, carry):
        for u in range(8):
            zbuf[r * 8 + u, :] = zeros16
        return carry
    lax.fori_loop(0, _RCOPY // 8, zrow, 0)
    cp_z = pltpu.async_copy(zbuf, acc.at[pl.ds(row0, _RCOPY)], ssems[0])

    cp_s.wait()
    cp_t.wait()

    def gidx(k, carry):
        for u in range(5):
            sl = pl.ds((k * 5 + u) * 16, 16)
            gfull[sl] = sfull[sl] * _NT + gfull[sl]
        return carry
    lax.fori_loop(0, _EW // 80, gidx, 0)
    cp_d.wait()
    cp_z.wait()

    plsc.subcore_barrier()

    def g_issue(j, b):
        pltpu.async_copy(y_hbm.at[gfull.at[pl.ds(j * _C, _C)]],
                         rows[b], gsems[b])

    def g_wait(b):
        pltpu.make_async_copy(y_hbm.at[gfull.at[pl.ds(0, _C)]],
                              rows[b], gsems[b]).wait()

    def s_issue(j, b):
        pltpu.async_copy(rows[b], acc.at[dfull.at[pl.ds(j * _C, _C)]],
                         ssems[b], add=True)

    def s_wait(b):
        pltpu.make_async_copy(rows[b], acc.at[dfull.at[pl.ds(0, _C)]],
                              ssems[b]).wait()

    for b in range(_NBUF):
        g_issue(b, b)

    def body(jj, carry):
        j = jj * _NBUF
        for b in range(_NBUF):
            g_wait(b)
            s_issue(j + b, b)
        for b in range(_NBUF):
            s_wait(b)

            @pl.when(j + _NBUF + b < _NCHUNK)
            def _():
                g_issue(j + _NBUF + b, b)
        return carry

    lax.fori_loop(0, _NCHUNK // _NBUF, body, 0)
    plsc.subcore_barrier()
    pltpu.sync_copy(acc.at[pl.ds(row0, _RCOPY)],
                    out_hbm.at[c, pl.ds(row0, _RCOPY)])


def _sc_partials(y, ei, et):
    f = pl.kernel(
        _sc_body,
        out_type=jax.ShapeDtypeStruct((_NC, _N, _MSG), jnp.float32),
        mesh=plsc.VectorSubcoreMesh(core_axis_name="c", subcore_axis_name="s"),
        scratch_types=[
            pltpu.VMEM((_EW,), jnp.int32),
            pltpu.VMEM((_EW,), jnp.int32),
            pltpu.VMEM((_EW,), jnp.int32),
            pltpu.VMEM((_RCOPY, _MSG), jnp.float32),
            [pltpu.VMEM((_C, _MSG), jnp.float32) for _ in range(_NBUF)],
            pltpu.VMEM_SHARED((_N, _MSG), jnp.float32),
            [pltpu.SemaphoreType.DMA for _ in range(_NBUF)],
            [pltpu.SemaphoreType.DMA for _ in range(_NBUF)],
        ],
        compiler_params=pltpu.CompilerParams(use_tc_tiling_on_sc=False),
    )
    return f(y, ei, et)


def _gru_body(pp_ref, x_ref, wih_ref, whh_ref, bih_ref, bhh_ref, o_ref):
    m = pp_ref[0] + pp_ref[1]
    h = x_ref[...]
    dn = (((1,), (1,)), ((), ()))
    gi = lax.dot_general(wih_ref[...], m, dn,
                         preferred_element_type=jnp.float32) + bih_ref[...]
    gh = lax.dot_general(whh_ref[...], h, dn,
                         preferred_element_type=jnp.float32) + bhh_ref[...]
    ht = h.T
    r = jax.nn.sigmoid(gi[:_HID] + gh[:_HID])
    z = jax.nn.sigmoid(gi[_HID:2 * _HID] + gh[_HID:2 * _HID])
    n = jnp.tanh(gi[2 * _HID:] + r * gh[2 * _HID:])
    o_ref[...] = ((1.0 - z) * n + z * ht).T


def _gru(partials, x, w_ih, w_hh, b_ih, b_hh):
    rb = 2000
    g3 = 3 * _HID
    return pl.pallas_call(
        _gru_body,
        grid=(_N // rb,),
        in_specs=[pl.BlockSpec((_NC, rb, _MSG), lambda i: (0, i, 0)),
                  pl.BlockSpec((rb, _HID), lambda i: (i, 0)),
                  pl.BlockSpec((g3, _MSG), lambda i: (0, 0)),
                  pl.BlockSpec((g3, _HID), lambda i: (0, 0)),
                  pl.BlockSpec((g3, 1), lambda i: (0, 0)),
                  pl.BlockSpec((g3, 1), lambda i: (0, 0))],
        out_specs=pl.BlockSpec((rb, _HID), lambda i: (i, 0)),
        out_shape=jax.ShapeDtypeStruct((_N, _HID), jnp.float32),
    )(partials, x, w_ih, w_hh, b_ih, b_hh)


def kernel(x, edge_index, edge_type, edge_matrix, W_ih, W_hh, b_ih, b_hh):
    w = edge_matrix.reshape(_NT, _MSG, _HID).transpose(2, 0, 1)
    w = w.reshape(_HID, _NT * _MSG)
    y = _ytab(x, w)
    partials = _sc_partials(y.reshape(_N * _NT, _MSG), edge_index, edge_type)
    return _gru(partials, x, W_ih, W_hh,
                b_ih.reshape(-1, 1), b_hh.reshape(-1, 1))

# --- scband reference (transcript-rebuilt; emitter-appended) ---
"""Pipeline reference for scband-ggnnlayer-38878043963480 (READ-ONLY COPY).

The authoritative reference and input builder live on the scoring server;
editing this copy changes nothing except your own understanding.
"""

import jax, jax.numpy as jnp
import numpy as np

N = 10000
E = 320000
MSG = 16
HID = 16
NUM_EDGE_TYPE = 16


def setup_inputs(seed: int = 0) -> dict:
    key = jax.random.key(seed)
    ks = jax.random.split(key, 8)
    x = jax.random.normal(ks[0], (N, HID), dtype=jnp.float32)
    edge_index = jax.random.randint(ks[1], (2, E), 0, N, dtype=jnp.int32)
    edge_type = jax.random.randint(ks[2], (E,), 0, NUM_EDGE_TYPE, dtype=jnp.int32)
    edge_matrix = jax.random.normal(ks[3], (NUM_EDGE_TYPE, MSG * HID), dtype=jnp.float32) * 0.1
    W_ih = jax.random.normal(ks[4], (3 * HID, MSG), dtype=jnp.float32) * 0.1
    W_hh = jax.random.normal(ks[5], (3 * HID, HID), dtype=jnp.float32) * 0.1
    b_ih = jnp.zeros((3 * HID,), dtype=jnp.float32)
    b_hh = jnp.zeros((3 * HID,), dtype=jnp.float32)
    return {
        'x': x,
        'edge_index': edge_index,
        'edge_type': edge_type,
        'edge_matrix': edge_matrix,
        'W_ih': W_ih,
        'W_hh': W_hh,
        'b_ih': b_ih,
        'b_hh': b_hh,
    }


def _gru_cell(m, h, W_ih, W_hh, b_ih, b_hh):
    # PyTorch nn.GRU single-step semantics
    gi = m @ W_ih.T + b_ih
    gh = h @ W_hh.T + b_hh
    i_r, i_z, i_n = jnp.split(gi, 3, axis=-1)
    h_r, h_z, h_n = jnp.split(gh, 3, axis=-1)
    r = jax.nn.sigmoid(i_r + h_r)
    z = jax.nn.sigmoid(i_z + h_z)
    n = jnp.tanh(i_n + r * h_n)
    return (1.0 - z) * n + z * h


def reference(x, edge_index, edge_type, edge_matrix, W_ih, W_hh, b_ih, b_hh):
    src = edge_index[0]
    dst = edge_index[1]
    # ggnn_msg: gather per-edge-type transform matrix, apply to source node state
    A = jnp.take(edge_matrix, edge_type, axis=0).reshape(-1, MSG, HID)  # [E, msg, hid]
    h_src = jnp.take(x, src, axis=0)  # [E, hid]
    msg = jnp.einsum('emh,eh->em', A, h_src)  # bmm(A, h_src[..., None]) -> [E, msg]
    # reduce: sum messages into destination nodes
    m = jax.ops.segment_sum(msg, dst, num_segments=N)  # [N, msg]
    # apply_func: single GRU step, input = aggregated message, hidden = node state
    h_new = _gru_cell(m, x, W_ih, W_hh, b_ih, b_hh)  # [N, hid]
    return h_new

if __name__ == "__main__":
    import jax
    _d = setup_inputs()
    print(jax.jit(kernel)(*tuple(_d.values())))

</pallas_src>

<mosaic_0001>
#map = affine_map<(d0, d1) -> (0, 0)>
#map1 = affine_map<(d0, d1) -> (0)>
#map2 = affine_map<(d0, d1) -> (0, 0, 0)>
module attributes {stable_mosaic.version = 14 : i64} {
  func.func @_sc_body(%arg0: i32, %arg1: i32, %arg2: memref<160000x16xf32, #tpu.memory_space<hbm>>, %arg3: memref<2x320000xi32, #tpu.memory_space<hbm>>, %arg4: memref<320000xi32, #tpu.memory_space<hbm>>, %arg5: memref<2x10000x16xf32, #tpu.memory_space<hbm>>, %arg6: memref<10000xi32, #tpu.memory_space<vmem>>, %arg7: memref<10000xi32, #tpu.memory_space<vmem>>, %arg8: memref<10000xi32, #tpu.memory_space<vmem>>, %arg9: memref<640x16xf32, #tpu.memory_space<vmem>>, %arg10: memref<400x16xf32, #tpu.memory_space<vmem>>, %arg11: memref<400x16xf32, #tpu.memory_space<vmem>>, %arg12: memref<400x16xf32, #tpu.memory_space<vmem>>, %arg13: memref<400x16xf32, #tpu.memory_space<vmem>>, %arg14: memref<400x16xf32, #tpu.memory_space<vmem>>, %arg15: memref<10000x16xf32, #tpu.memory_space<vmem_shared>>, %arg16: memref<!tpu.dma_semaphore, #tpu.memory_space<semaphore_mem>>, %arg17: memref<!tpu.dma_semaphore, #tpu.memory_space<semaphore_mem>>, %arg18: memref<!tpu.dma_semaphore, #tpu.memory_space<semaphore_mem>>, %arg19: memref<!tpu.dma_semaphore, #tpu.memory_space<semaphore_mem>>, %arg20: memref<!tpu.dma_semaphore, #tpu.memory_space<semaphore_mem>>, %arg21: memref<!tpu.dma_semaphore, #tpu.memory_space<semaphore_mem>>, %arg22: memref<!tpu.dma_semaphore, #tpu.memory_space<semaphore_mem>>, %arg23: memref<!tpu.dma_semaphore, #tpu.memory_space<semaphore_mem>>, %arg24: memref<!tpu.dma_semaphore, #tpu.memory_space<semaphore_mem>>, %arg25: memref<!tpu.dma_semaphore, #tpu.memory_space<semaphore_mem>>) attributes {dimension_semantics = [#tpu.dimension_semantics<core_parallel>, #tpu.dimension_semantics<subcore_parallel>], iteration_bounds = array<i64: 2, 16>, scalar_prefetch = 0 : i64, scratch_operands = 20 : i64, tpu.core_type = #tpu.core_type<sc_vector_subcore>, window_params = [{transform_indices = #map}, {transform_indices = #map}, {transform_indices = #map1}, {transform_indices = #map2}]} {
    %mul3A = arith.constant 2 : i32
    %mul3A_0 = arith.muli %arg1, %mul3A : i32
    %add3A = arith.addi %mul3A_0, %arg0 : i32
    %mul3A_1 = arith.constant 10000 : i32
    %mul3A_2 = arith.muli %add3A, %mul3A_1 : i32
    %mul3A_3 = arith.constant 624 : i32
    %mul3A_4 = arith.muli %arg1, %mul3A_3 : i32
    %dma_start3A = arith.constant 0 : i32
    %dma_start3A_5 = tpu.memref_slice %arg3[%dma_start3A, %mul3A_2] : memref<2x320000xi32, #tpu.memory_space<hbm>> -> memref<1x10000xi32, #tpu.memory_space<hbm>>
    %dma_start3A_6 = tpu.memref_squeeze %dma_start3A_5 : memref<1x10000xi32, #tpu.memory_space<hbm>> -> memref<10000xi32, #tpu.memory_space<hbm>>
    %dma_start3A_7 = tpu.memref_slice %arg3[%dma_start3A, %mul3A_2] : memref<2x320000xi32, #tpu.memory_space<hbm>> -> memref<1x10000xi32, #tpu.memory_space<hbm>>
    %dma_start3A_8 = tpu.memref_squeeze %dma_start3A_7 : memref<1x10000xi32, #tpu.memory_space<hbm>> -> memref<10000xi32, #tpu.memory_space<hbm>>
    tpu.enqueue_dma source(%dma_start3A_8 : memref<10000xi32, #tpu.memory_space<hbm>>) target(%arg6 : memref<10000xi32, #tpu.memory_space<vmem>>) target_semaphore(%arg16 : memref<!tpu.dma_semaphore, #tpu.memory_space<semaphore_mem>>)
    %dma_start3A_9 = tpu.memref_slice %arg4[%mul3A_2] : memref<320000xi32, #tpu.memory_space<hbm>> -> memref<10000xi32, #tpu.memory_space<hbm>>
    %dma_start3A_10 = tpu.memref_slice %arg4[%mul3A_2] : memref<320000xi32, #tpu.memory_space<hbm>> -> memref<10000xi32, #tpu.memory_space<hbm>>
    tpu.enqueue_dma source(%dma_start3A_10 : memref<10000xi32, #tpu.memory_space<hbm>>) target(%arg8 : memref<10000xi32, #tpu.memory_space<vmem>>) target_semaphore(%arg17 : memref<!tpu.dma_semaphore, #tpu.memory_space<semaphore_mem>>)
    %dma_start3A_11 = arith.constant 1 : i32
    %dma_start3A_12 = tpu.memref_slice %arg3[%dma_start3A_11, %mul3A_2] : memref<2x320000xi32, #tpu.memory_space<hbm>> -> memref<1x10000xi32, #tpu.memory_space<hbm>>
    %dma_start3A_13 = tpu.memref_squeeze %dma_start3A_12 : memref<1x10000xi32, #tpu.memory_space<hbm>> -> memref<10000xi32, #tpu.memory_space<hbm>>
    %dma_start3A_14 = tpu.memref_slice %arg3[%dma_start3A_11, %mul3A_2] : memref<2x320000xi32, #tpu.memory_space<hbm>> -> memref<1x10000xi32, #tpu.memory_space<hbm>>
    %dma_start3A_15 = tpu.memref_squeeze %dma_start3A_14 : memref<1x10000xi32, #tpu.memory_space<hbm>> -> memref<10000xi32, #tpu.memory_space<hbm>>
    tpu.enqueue_dma source(%dma_start3A_15 : memref<10000xi32, #tpu.memory_space<hbm>>) target(%arg7 : memref<10000xi32, #tpu.memory_space<vmem>>) target_semaphore(%arg18 : memref<!tpu.dma_semaphore, #tpu.memory_space<semaphore_mem>>)
    %broadcast_in_dim3A = arith.constant 0.000000e+00 : f32
    %broadcast_in_dim3A_16 = vector.broadcast %broadcast_in_dim3A : f32 to vector<16xf32>
    %scan3A = arith.constant 0 : i32
    %scan3A_17 = arith.constant 0 : i32
    %scan3A_18 = arith.constant 80 : i32
    %scan3A_19 = arith.addi %scan3A_17, %scan3A_18 : i32
    %scan3A_20 = arith.constant 1 : i32
    scf.for %scan3A_79 = %scan3A_17 to %scan3A_19 step %scan3A_20  : i32 {
      %mul3A_80 = arith.constant 8 : i32
      %mul3A_81 = arith.muli %scan3A_79, %mul3A_80 : i32
      %add3A_82 = arith.constant 0 : i32
      %add3A_83 = arith.addi %mul3A_81, %add3A_82 : i32
      %swap3A = arith.index_cast %add3A_83 : i32 to index
      %swap3A_84 = arith.constant 0 : index
      %swap3A_85 = tpu.vector_load %arg9[%swap3A, %swap3A_84] {strides = array<i32>} : memref<640x16xf32, #tpu.memory_space<vmem>>, vector<1x16xf32>,
      %swap3A_86 = vector.shape_cast %swap3A_85 : vector<1x16xf32> to vector<16xf32>
      %swap3A_87 = vector.shape_cast %broadcast_in_dim3A_16 : vector<16xf32> to vector<1x16xf32>
      tpu.vector_store %arg9[%swap3A, %swap3A_84], %swap3A_87 {strides = array<i32>} : memref<640x16xf32, #tpu.memory_space<vmem>>, vector<1x16xf32>,
      %mul3A_88 = arith.constant 8 : i32
      %mul3A_89 = arith.muli %scan3A_79, %mul3A_88 : i32
      %add3A_90 = arith.constant 1 : i32
      %add3A_91 = arith.addi %mul3A_89, %add3A_90 : i32
      %swap3A_92 = arith.index_cast %add3A_91 : i32 to index
      %swap3A_93 = arith.constant 0 : index
      %swap3A_94 = tpu.vector_load %arg9[%swap3A_92, %swap3A_93] {strides = array<i32>} : memref<640x16xf32, #tpu.memory_space<vmem>>, vector<1x16xf32>,
      %swap3A_95 = vector.shape_cast %swap3A_94 : vector<1x16xf32> to vector<16xf32>
      %swap3A_96 = vector.shape_cast %broadcast_in_dim3A_16 : vector<16xf32> to vector<1x16xf32>
      tpu.vector_store %arg9[%swap3A_92, %swap3A_93], %swap3A_96 {strides = array<i32>} : memref<640x16xf32, #tpu.memory_space<vmem>>, vector<1x16xf32>,
      %mul3A_97 = arith.constant 8 : i32
      %mul3A_98 = arith.muli %scan3A_79, %mul3A_97 : i32
      %add3A_99 = arith.constant 2 : i32
      %add3A_100 = arith.addi %mul3A_98, %add3A_99 : i32
      %swap3A_101 = arith.index_cast %add3A_100 : i32 to index
      %swap3A_102 = arith.constant 0 : index
      %swap3A_103 = tpu.vector_load %arg9[%swap3A_101, %swap3A_102] {strides = array<i32>} : memref<640x16xf32, #tpu.memory_space<vmem>>, vector<1x16xf32>,
      %swap3A_104 = vector.shape_cast %swap3A_103 : vector<1x16xf32> to vector<16xf32>
      %swap3A_105 = vector.shape_cast %broadcast_in_dim3A_16 : vector<16xf32> to vector<1x16xf32>
      tpu.vector_store %arg9[%swap3A_101, %swap3A_102], %swap3A_105 {strides = array<i32>} : memref<640x16xf32, #tpu.memory_space<vmem>>, vector<1x16xf32>,
      %mul3A_106 = arith.constant 8 : i32
      %mul3A_107 = arith.muli %scan3A_79, %mul3A_106 : i32
      %add3A_108 = arith.constant 3 : i32
      %add3A_109 = arith.addi %mul3A_107, %add3A_108 : i32
      %swap3A_110 = arith.index_cast %add3A_109 : i32 to index
      %swap3A_111 = arith.constant 0 : index
      %swap3A_112 = tpu.vector_load %arg9[%swap3A_110, %swap3A_111] {strides = array<i32>} : memref<640x16xf32, #tpu.memory_space<vmem>>, vector<1x16xf32>,
      %swap3A_113 = vector.shape_cast %swap3A_112 : vector<1x16xf32> to vector<16xf32>
      %swap3A_114 = vector.shape_cast %broadcast_in_dim3A_16 : vector<16xf32> to vector<1x16xf32>
      tpu.vector_store %arg9[%swap3A_110, %swap3A_111], %swap3A_114 {strides = array<i32>} : memref<640x16xf32, #tpu.memory_space<vmem>>, vector<1x16xf32>,
      %mul3A_115 = arith.constant 8 : i32
      %mul3A_116 = arith.muli %scan3A_79, %mul3A_115 : i32
      %add3A_117 = arith.constant 4 : i32
      %add3A_118 = arith.addi %mul3A_116, %add3A_117 : i32
      %swap3A_119 = arith.index_cast %add3A_118 : i32 to index
      %swap3A_120 = arith.constant 0 : index
      %swap3A_121 = tpu.vector_load %arg9[%swap3A_119, %swap3A_120] {strides = array<i32>} : memref<640x16xf32, #tpu.memory_space<vmem>>, vector<1x16xf32>,
      %swap3A_122 = vector.shape_cast %swap3A_121 : vector<1x16xf32> to vector<16xf32>
      %swap3A_123 = vector.shape_cast %broadcast_in_dim3A_16 : vector<16xf32> to vector<1x16xf32>
      tpu.vector_store %arg9[%swap3A_119, %swap3A_120], %swap3A_123 {strides = array<i32>} : memref<640x16xf32, #tpu.memory_space<vmem>>, vector<1x16xf32>,
      %mul3A_124 = arith.constant 8 : i32
      %mul3A_125 = arith.muli %scan3A_79, %mul3A_124 : i32
      %add3A_126 = arith.constant 5 : i32
      %add3A_127 = arith.addi %mul3A_125, %add3A_126 : i32
      %swap3A_128 = arith.index_cast %add3A_127 : i32 to index
      %swap3A_129 = arith.constant 0 : index
      %swap3A_130 = tpu.vector_load %arg9[%swap3A_128, %swap3A_129] {strides = array<i32>} : memref<640x16xf32, #tpu.memory_space<vmem>>, vector<1x16xf32>,
      %swap3A_131 = vector.shape_cast %swap3A_130 : vector<1x16xf32> to vector<16xf32>
      %swap3A_132 = vector.shape_cast %broadcast_in_dim3A_16 : vector<16xf32> to vector<1x16xf32>
      tpu.vector_store %arg9[%swap3A_128, %swap3A_129], %swap3A_132 {strides = array<i32>} : memref<640x16xf32, #tpu.memory_space<vmem>>, vector<1x16xf32>,
      %mul3A_133 = arith.constant 8 : i32
      %mul3A_134 = arith.muli %scan3A_79, %mul3A_133 : i32
      %add3A_135 = arith.constant 6 : i32
      %add3A_136 = arith.addi %mul3A_134, %add3A_135 : i32
      %swap3A_137 = arith.index_cast %add3A_136 : i32 to index
      %swap3A_138 = arith.constant 0 : index
      %swap3A_139 = tpu.vector_load %arg9[%swap3A_137, %swap3A_138] {strides = array<i32>} : memref<640x16xf32, #tpu.memory_space<vmem>>, vector<1x16xf32>,
      %swap3A_140 = vector.shape_cast %swap3A_139 : vector<1x16xf32> to vector<16xf32>
      %swap3A_141 = vector.shape_cast %broadcast_in_dim3A_16 : vector<16xf32> to vector<1x16xf32>
      tpu.vector_store %arg9[%swap3A_137, %swap3A_138], %swap3A_141 {strides = array<i32>} : memref<640x16xf32, #tpu.memory_space<vmem>>, vector<1x16xf32>,
      %mul3A_142 = arith.constant 8 : i32
      %mul3A_143 = arith.muli %scan3A_79, %mul3A_142 : i32
      %add3A_144 = arith.constant 7 : i32
      %add3A_145 = arith.addi %mul3A_143, %add3A_144 : i32
      %swap3A_146 = arith.index_cast %add3A_145 : i32 to index
      %swap3A_147 = arith.constant 0 : index
      %swap3A_148 = tpu.vector_load %arg9[%swap3A_146, %swap3A_147] {strides = array<i32>} : memref<640x16xf32, #tpu.memory_space<vmem>>, vector<1x16xf32>,
      %swap3A_149 = vector.shape_cast %swap3A_148 : vector<1x16xf32> to vector<16xf32>
      %swap3A_150 = vector.shape_cast %broadcast_in_dim3A_16 : vector<16xf32> to vector<1x16xf32>
      tpu.vector_store %arg9[%swap3A_146, %swap3A_147], %swap3A_150 {strides = array<i32>} : memref<640x16xf32, #tpu.memory_space<vmem>>, vector<1x16xf32>,
    }
    %scan3A_21 = arith.constant 80 : i32
    %dma_start3A_22 = arith.constant 0 : i32
    %dma_start3A_23 = tpu.memref_slice %arg15[%mul3A_4, %dma_start3A_22] : memref<10000x16xf32, #tpu.memory_space<vmem_shared>> -> memref<640x16xf32, #tpu.memory_space<vmem_shared>>
    %dma_start3A_24 = arith.constant 0 : i32
    %dma_start3A_25 = tpu.memref_slice %arg15[%mul3A_4, %dma_start3A_24] : memref<10000x16xf32, #tpu.memory_space<vmem_shared>> -> memref<640x16xf32, #tpu.memory_space<vmem_shared>>
    tpu.enqueue_dma source(%arg9 : memref<640x16xf32, #tpu.memory_space<vmem>>) target(%dma_start3A_25 : memref<640x16xf32, #tpu.memory_space<vmem_shared>>) target_semaphore(%arg21 : memref<!tpu.dma_semaphore, #tpu.memory_space<semaphore_mem>>)
    %dma_wait3A = arith.constant 0 : i32
    %dma_wait3A_26 = tpu.memref_slice %arg3[%dma_wait3A, %mul3A_2] : memref<2x320000xi32, #tpu.memory_space<hbm>> -> memref<1x10000xi32, #tpu.memory_space<hbm>>
    %dma_wait3A_27 = tpu.memref_squeeze %dma_wait3A_26 : memref<1x10000xi32, #tpu.memory_space<hbm>> -> memref<10000xi32, #tpu.memory_space<hbm>>
    %dma_wait3A_28 = tpu.memref_slice %arg3[%dma_wait3A, %mul3A_2] : memref<2x320000xi32, #tpu.memory_space<hbm>> -> memref<1x10000xi32, #tpu.memory_space<hbm>>
    %dma_wait3A_29 = tpu.memref_squeeze %dma_wait3A_28 : memref<1x10000xi32, #tpu.memory_space<hbm>> -> memref<10000xi32, #tpu.memory_space<hbm>>
    tpu.wait_dma2 semaphore(%arg16 : memref<!tpu.dma_semaphore, #tpu.memory_space<semaphore_mem>>) src(%dma_wait3A_29 : memref<10000xi32, #tpu.memory_space<hbm>>) dst(%arg6 : memref<10000xi32, #tpu.memory_space<vmem>>)
    %dma_wait3A_30 = tpu.memref_slice %arg4[%mul3A_2] : memref<320000xi32, #tpu.memory_space<hbm>> -> memref<10000xi32, #tpu.memory_space<hbm>>
    %dma_wait3A_31 = tpu.memref_slice %arg4[%mul3A_2] : memref<320000xi32, #tpu.memory_space<hbm>> -> memref<10000xi32, #tpu.memory_space<hbm>>
    tpu.wait_dma2 semaphore(%arg17 : memref<!tpu.dma_semaphore, #tpu.memory_space<semaphore_mem>>) src(%dma_wait3A_31 : memref<10000xi32, #tpu.memory_space<hbm>>) dst(%arg8 : memref<10000xi32, #tpu.memory_space<vmem>>)
    %scan3A_32 = arith.constant 0 : i32
    %scan3A_33 = arith.constant 0 : i32
    %scan3A_34 = arith.constant 125 : i32
    %scan3A_35 = arith.addi %scan3A_33, %scan3A_34 : i32
    %scan3A_36 = arith.constant 1 : i32
    scf.for %scan3A_79 = %scan3A_33 to %scan3A_35 step %scan3A_36  : i32 {
      %mul3A_80 = arith.constant 5 : i32
      %mul3A_81 = arith.muli %scan3A_79, %mul3A_80 : i32
      %add3A_82 = arith.constant 0 : i32
      %add3A_83 = arith.addi %mul3A_81, %add3A_82 : i32
      %mul3A_84 = arith.constant 16 : i32
      %mul3A_85 = arith.muli %add3A_83, %mul3A_84 : i32
      %get3A = arith.index_cast %mul3A_85 : i32 to index
      %get3A_86 = tpu.vector_load %arg6[%get3A] {strides = array<i32>} : memref<10000xi32, #tpu.memory_space<vmem>>, vector<16xi32>,
      %get3A_87 = vector.shape_cast %get3A_86 : vector<16xi32> to vector<16xi32>
      %mul3A_88 = arith.constant 16 : i32
      %mul3A_89 = vector.broadcast %mul3A_88 : i32 to vector<16xi32>
      %mul3A_90 = arith.muli %get3A_87, %mul3A_89 : vector<16xi32>
      %get3A_91 = arith.index_cast %mul3A_85 : i32 to index
      %get3A_92 = tpu.vector_load %arg8[%get3A_91] {strides = array<i32>} : memref<10000xi32, #tpu.memory_space<vmem>>, vector<16xi32>,
      %get3A_93 = vector.shape_cast %get3A_92 : vector<16xi32> to vector<16xi32>
      %add3A_94 = arith.addi %mul3A_90, %get3A_93 : vector<16xi32>
      %swap3A = arith.index_cast %mul3A_85 : i32 to index
      %swap3A_95 = tpu.vector_load %arg8[%swap3A] {strides = array<i32>} : memref<10000xi32, #tpu.memory_space<vmem>>, vector<16xi32>,
      %swap3A_96 = vector.shape_cast %swap3A_95 : vector<16xi32> to vector<16xi32>
      %swap3A_97 = vector.shape_cast %add3A_94 : vector<16xi32> to vector<16xi32>
      tpu.vector_store %arg8[%swap3A], %swap3A_97 {strides = array<i32>} : memref<10000xi32, #tpu.memory_space<vmem>>, vector<16xi32>,
      %mul3A_98 = arith.constant 5 : i32
      %mul3A_99 = arith.muli %scan3A_79, %mul3A_98 : i32
      %add3A_100 = arith.constant 1 : i32
      %add3A_101 = arith.addi %mul3A_99, %add3A_100 : i32
      %mul3A_102 = arith.constant 16 : i32
      %mul3A_103 = arith.muli %add3A_101, %mul3A_102 : i32
      %get3A_104 = arith.index_cast %mul3A_103 : i32 to index
      %get3A_105 = tpu.vector_load %arg6[%get3A_104] {strides = array<i32>} : memref<10000xi32, #tpu.memory_space<vmem>>, vector<16xi32>,
      %get3A_106 = vector.shape_cast %get3A_105 : vector<16xi32> to vector<16xi32>
      %mul3A_107 = arith.constant 16 : i32
      %mul3A_108 = vector.broadcast %mul3A_107 : i32 to vector<16xi32>
      %mul3A_109 = arith.muli %get3A_106, %mul3A_108 : vector<16xi32>
      %get3A_110 = arith.index_cast %mul3A_103 : i32 to index
      %get3A_111 = tpu.vector_load %arg8[%get3A_110] {strides = array<i32>} : memref<10000xi32, #tpu.memory_space<vmem>>, vector<16xi32>,
      %get3A_112 = vector.shape_cast %get3A_111 : vector<16xi32> to vector<16xi32>
      %add3A_113 = arith.addi %mul3A_109, %get3A_112 : vector<16xi32>
      %swap3A_114 = arith.index_cast %mul3A_103 : i32 to index
      %swap3A_115 = tpu.vector_load %arg8[%swap3A_114] {strides = array<i32>} : memref<10000xi32, #tpu.memory_space<vmem>>, vector<16xi32>,
      %swap3A_116 = vector.shape_cast %swap3A_115 : vector<16xi32> to vector<16xi32>
      %swap3A_117 = vector.shape_cast %add3A_113 : vector<16xi32> to vector<16xi32>
      tpu.vector_store %arg8[%swap3A_114], %swap3A_117 {strides = array<i32>} : memref<10000xi32, #tpu.memory_space<vmem>>, vector<16xi32>,
      %mul3A_118 = arith.constant 5 : i32
      %mul3A_119 = arith.muli %scan3A_79, %mul3A_118 : i32
      %add3A_120 = arith.constant 2 : i32
      %add3A_121 = arith.addi %mul3A_119, %add3A_120 : i32
      %mul3A_122 = arith.constant 16 : i32
      %mul3A_123 = arith.muli %add3A_121, %mul3A_122 : i32
      %get3A_124 = arith.index_cast %mul3A_123 : i32 to index
      %get3A_125 = tpu.vector_load %arg6[%get3A_124] {strides = array<i32>} : memref<10000xi32, #tpu.memory_space<vmem>>, vector<16xi32>,
      %get3A_126 = vector.shape_cast %get3A_125 : vector<16xi32> to vector<16xi32>
      %mul3A_127 = arith.constant 16 : i32
      %mul3A_128 = vector.broadcast %mul3A_127 : i32 to vector<16xi32>
      %mul3A_129 = arith.muli %get3A_126, %mul3A_128 : vector<16xi32>
      %get3A_130 = arith.index_cast %mul3A_123 : i32 to index
      %get3A_131 = tpu.vector_load %arg8[%get3A_130] {strides = array<i32>} : memref<10000xi32, #tpu.memory_space<vmem>>, vector<16xi32>,
      %get3A_132 = vector.shape_cast %get3A_131 : vector<16xi32> to vector<16xi32>
      %add3A_133 = arith.addi %mul3A_129, %get3A_132 : vector<16xi32>
      %swap3A_134 = arith.index_cast %mul3A_123 : i32 to index
      %swap3A_135 = tpu.vector_load %arg8[%swap3A_134] {strides = array<i32>} : memref<10000xi32, #tpu.memory_space<vmem>>, vector<16xi32>,
      %swap3A_136 = vector.shape_cast %swap3A_135 : vector<16xi32> to vector<16xi32>
      %swap3A_137 = vector.shape_cast %add3A_133 : vector<16xi32> to vector<16xi32>
      tpu.vector_store %arg8[%swap3A_134], %swap3A_137 {strides = array<i32>} : memref<10000xi32, #tpu.memory_space<vmem>>, vector<16xi32>,
      %mul3A_138 = arith.constant 5 : i32
      %mul3A_139 = arith.muli %scan3A_79, %mul3A_138 : i32
      %add3A_140 = arith.constant 3 : i32
      %add3A_141 = arith.addi %mul3A_139, %add3A_140 : i32
      %mul3A_142 = arith.constant 16 : i32
      %mul3A_143 = arith.muli %add3A_141, %mul3A_142 : i32
      %get3A_144 = arith.index_cast %mul3A_143 : i32 to index
      %get3A_145 = tpu.vector_load %arg6[%get3A_144] {strides = array<i32>} : memref<10000xi32, #tpu.memory_space<vmem>>, vector<16xi32>,
      %get3A_146 = vector.shape_cast %get3A_145 : vector<16xi32> to vector<16xi32>
      %mul3A_147 = arith.constant 16 : i32
      %mul3A_148 = vector.broadcast %mul3A_147 : i32 to vector<16xi32>
      %mul3A_149 = arith.muli %get3A_146, %mul3A_148 : vector<16xi32>
      %get3A_150 = arith.index_cast %mul3A_143 : i32 to index
      %get3A_151 = tpu.vector_load %arg8[%get3A_150] {strides = array<i32>} : memref<10000xi32, #tpu.memory_space<vmem>>, vector<16xi32>,
      %get3A_152 = vector.shape_cast %get3A_151 : vector<16xi32> to vector<16xi32>
      %add3A_153 = arith.addi %mul3A_149, %get3A_152 : vector<16xi32>
      %swap3A_154 = arith.index_cast %mul3A_143 : i32 to index
      %swap3A_155 = tpu.vector_load %arg8[%swap3A_154] {strides = array<i32>} : memref<10000xi32, #tpu.memory_space<vmem>>, vector<16xi32>,
      %swap3A_156 = vector.shape_cast %swap3A_155 : vector<16xi32> to vector<16xi32>
      %swap3A_157 = vector.shape_cast %add3A_153 : vector<16xi32> to vector<16xi32>
      tpu.vector_store %arg8[%swap3A_154], %swap3A_157 {strides = array<i32>} : memref<10000xi32, #tpu.memory_space<vmem>>, vector<16xi32>,
      %mul3A_158 = arith.constant 5 : i32
      %mul3A_159 = arith.muli %scan3A_79, %mul3A_158 : i32
      %add3A_160 = arith.constant 4 : i32
      %add3A_161 = arith.addi %mul3A_159, %add3A_160 : i32
      %mul3A_162 = arith.constant 16 : i32
      %mul3A_163 = arith.muli %add3A_161, %mul3A_162 : i32
      %get3A_164 = arith.index_cast %mul3A_163 : i32 to index
      %get3A_165 = tpu.vector_load %arg6[%get3A_164] {strides = array<i32>} : memref<10000xi32, #tpu.memory_space<vmem>>, vector<16xi32>,
      %get3A_166 = vector.shape_cast %get3A_165 : vector<16xi32> to vector<16xi32>
      %mul3A_167 = arith.constant 16 : i32
      %mul3A_168 = vector.broadcast %mul3A_167 : i32 to vector<16xi32>
      %mul3A_169 = arith.muli %get3A_166, %mul3A_168 : vector<16xi32>
      %get3A_170 = arith.index_cast %mul3A_163 : i32 to index
      %get3A_171 = tpu.vector_load %arg8[%get3A_170] {strides = array<i32>} : memref<10000xi32, #tpu.memory_space<vmem>>, vector<16xi32>,
      %get3A_172 = vector.shape_cast %get3A_171 : vector<16xi32> to vector<16xi32>
      %add3A_173 = arith.addi %mul3A_169, %get3A_172 : vector<16xi32>
      %swap3A_174 = arith.index_cast %mul3A_163 : i32 to index
      %swap3A_175 = tpu.vector_load %arg8[%swap3A_174] {strides = array<i32>} : memref<10000xi32, #tpu.memory_space<vmem>>, vector<16xi32>,
      %swap3A_176 = vector.shape_cast %swap3A_175 : vector<16xi32> to vector<16xi32>
      %swap3A_177 = vector.shape_cast %add3A_173 : vector<16xi32> to vector<16xi32>
      tpu.vector_store %arg8[%swap3A_174], %swap3A_177 {strides = array<i32>} : memref<10000xi32, #tpu.memory_space<vmem>>, vector<16xi32>,
    }
    %scan3A_37 = arith.constant 125 : i32
    %dma_wait3A_38 = arith.constant 1 : i32
    %dma_wait3A_39 = tpu.memref_slice %arg3[%dma_wait3A_38, %mul3A_2] : memref<2x320000xi32, #tpu.memory_space<hbm>> -> memref<1x10000xi32, #tpu.memory_space<hbm>>
    %dma_wait3A_40 = tpu.memref_squeeze %dma_wait3A_39 : memref<1x10000xi32, #tpu.memory_space<hbm>> -> memref<10000xi32, #tpu.memory_space<hbm>>
    %dma_wait3A_41 = tpu.memref_slice %arg3[%dma_wait3A_38, %mul3A_2] : memref<2x320000xi32, #tpu.memory_space<hbm>> -> memref<1x10000xi32, #tpu.memory_space<hbm>>
    %dma_wait3A_42 = tpu.memref_squeeze %dma_wait3A_41 : memref<1x10000xi32, #tpu.memory_space<hbm>> -> memref<10000xi32, #tpu.memory_space<hbm>>
    tpu.wait_dma2 semaphore(%arg18 : memref<!tpu.dma_semaphore, #tpu.memory_space<semaphore_mem>>) src(%dma_wait3A_42 : memref<10000xi32, #tpu.memory_space<hbm>>) dst(%arg7 : memref<10000xi32, #tpu.memory_space<vmem>>)
    %dma_wait3A_43 = arith.constant 0 : i32
    %dma_wait3A_44 = tpu.memref_slice %arg15[%mul3A_4, %dma_wait3A_43] : memref<10000x16xf32, #tpu.memory_space<vmem_shared>> -> memref<640x16xf32, #tpu.memory_space<vmem_shared>>
    %dma_wait3A_45 = arith.constant 0 : i32
    %dma_wait3A_46 = tpu.memref_slice %arg15[%mul3A_4, %dma_wait3A_45] : memref<10000x16xf32, #tpu.memory_space<vmem_shared>> -> memref<640x16xf32, #tpu.memory_space<vmem_shared>>
    tpu.wait_dma2 semaphore(%arg21 : memref<!tpu.dma_semaphore, #tpu.memory_space<semaphore_mem>>) src(%arg9 : memref<640x16xf32, #tpu.memory_space<vmem>>) dst(%dma_wait3A_46 : memref<640x16xf32, #tpu.memory_space<vmem_shared>>)
    %barrier3A = arith.constant 0 : index
    tpu.barrier barrier_id(%barrier3A)
    %dma_start3A_47 = arith.constant 0 : i32
    %dma_start3A_48 = tpu.memref_slice %arg8[%dma_start3A_47] : memref<10000xi32, #tpu.memory_space<vmem>> -> memref<400xi32, #tpu.memory_space<vmem>>
    %dma_start3A_49 = arith.constant 0 : i32
    %dma_start3A_50 = arith.constant 0 : i32
    %dma_start3A_51 = tpu.memref_slice %arg2[%dma_start3A_49, %dma_start3A_50] : memref<160000x16xf32, #tpu.memory_space<hbm>> -> memref<160000x16xf32, #tpu.memory_space<hbm>>
    tpu.enqueue_indirect_dma source(%dma_start3A_51 : memref<160000x16xf32, #tpu.memory_space<hbm>>) target(%arg10 : memref<400x16xf32, #tpu.memory_space<vmem>>) offsets(%dma_start3A_48 : memref<400xi32, #tpu.memory_space<vmem>>) semaphore(%arg16 : memref<!tpu.dma_semaphore, #tpu.memory_space<semaphore_mem>>)
    %dma_start3A_52 = arith.constant 400 : i32
    %dma_start3A_53 = tpu.memref_slice %arg8[%dma_start3A_52] : memref<10000xi32, #tpu.memory_space<vmem>> -> memref<400xi32, #tpu.memory_space<vmem>>
    %dma_start3A_54 = arith.constant 0 : i32
    %dma_start3A_55 = arith.constant 0 : i32
    %dma_start3A_56 = tpu.memref_slice %arg2[%dma_start3A_54, %dma_start3A_55] : memref<160000x16xf32, #tpu.memory_space<hbm>> -> memref<160000x16xf32, #tpu.memory_space<hbm>>
    tpu.enqueue_indirect_dma source(%dma_start3A_56 : memref<160000x16xf32, #tpu.memory_space<hbm>>) target(%arg11 : memref<400x16xf32, #tpu.memory_space<vmem>>) offsets(%dma_start3A_53 : memref<400xi32, #tpu.memory_space<vmem>>) semaphore(%arg17 : memref<!tpu.dma_semaphore, #tpu.memory_space<semaphore_mem>>)
    %dma_start3A_57 = arith.constant 800 : i32
    %dma_start3A_58 = tpu.memref_slice %arg8[%dma_start3A_57] : memref<10000xi32, #tpu.memory_space<vmem>> -> memref<400xi32, #tpu.memory_space<vmem>>
    %dma_start3A_59 = arith.constant 0 : i32
    %dma_start3A_60 = arith.constant 0 : i32
    %dma_start3A_61 = tpu.memref_slice %arg2[%dma_start3A_59, %dma_start3A_60] : memref<160000x16xf32, #tpu.memory_space<hbm>> -> memref<160000x16xf32, #tpu.memory_space<hbm>>
    tpu.enqueue_indirect_dma source(%dma_start3A_61 : memref<160000x16xf32, #tpu.memory_space<hbm>>) target(%arg12 : memref<400x16xf32, #tpu.memory_space<vmem>>) offsets(%dma_start3A_58 : memref<400xi32, #tpu.memory_space<vmem>>) semaphore(%arg18 : memref<!tpu.dma_semaphore, #tpu.memory_space<semaphore_mem>>)
    %dma_start3A_62 = arith.constant 1200 : i32
    %dma_start3A_63 = tpu.memref_slice %arg8[%dma_start3A_62] : memref<10000xi32, #tpu.memory_space<vmem>> -> memref<400xi32, #tpu.memory_space<vmem>>
    %dma_start3A_64 = arith.constant 0 : i32
    %dma_start3A_65 = arith.constant 0 : i32
    %dma_start3A_66 = tpu.memref_slice %arg2[%dma_start3A_64, %dma_start3A_65] : memref<160000x16xf32, #tpu.memory_space<hbm>> -> memref<160000x16xf32, #tpu.memory_space<hbm>>
    tpu.enqueue_indirect_dma source(%dma_start3A_66 : memref<160000x16xf32, #tpu.memory_space<hbm>>) target(%arg13 : memref<400x16xf32, #tpu.memory_space<vmem>>) offsets(%dma_start3A_63 : memref<400xi32, #tpu.memory_space<vmem>>) semaphore(%arg19 : memref<!tpu.dma_semaphore, #tpu.memory_space<semaphore_mem>>)
    %dma_start3A_67 = arith.constant 1600 : i32
    %dma_start3A_68 = tpu.memref_slice %arg8[%dma_start3A_67] : memref<10000xi32, #tpu.memory_space<vmem>> -> memref<400xi32, #tpu.memory_space<vmem>>
    %dma_start3A_69 = arith.constant 0 : i32
    %dma_start3A_70 = arith.constant 0 : i32
    %dma_start3A_71 = tpu.memref_slice %arg2[%dma_start3A_69, %dma_start3A_70] : memref<160000x16xf32, #tpu.memory_space<hbm>> -> memref<160000x16xf32, #tpu.memory_space<hbm>>
    tpu.enqueue_indirect_dma source(%dma_start3A_71 : memref<160000x16xf32, #tpu.memory_space<hbm>>) target(%arg14 : memref<400x16xf32, #tpu.memory_space<vmem>>) offsets(%dma_start3A_68 : memref<400xi32, #tpu.memory_space<vmem>>) semaphore(%arg20 : memref<!tpu.dma_semaphore, #tpu.memory_space<semaphore_mem>>)
    %scan3A_72 = arith.constant 0 : i32
    %scan3A_73 = arith.constant 0 : i32
    %scan3A_74 = arith.constant 5 : i32
    %scan3A_75 = arith.addi %scan3A_73, %scan3A_74 : i32
    %scan3A_76 = arith.constant 1 : i32
    scf.for %scan3A_79 = %scan3A_73 to %scan3A_75 step %scan3A_76  : i32 {
      %mul3A_80 = arith.constant 5 : i32
      %mul3A_81 = arith.muli %scan3A_79, %mul3A_80 : i32
      %dma_wait3A_82 = arith.constant 0 : i32
      %dma_wait3A_83 = tpu.memref_slice %arg8[%dma_wait3A_82] : memref<10000xi32, #tpu.memory_space<vmem>> -> memref<400xi32, #tpu.memory_space<vmem>>
      %dma_wait3A_84 = arith.constant 0 : i32
      %dma_wait3A_85 = arith.constant 0 : i32
      %dma_wait3A_86 = tpu.memref_slice %arg2[%dma_wait3A_84, %dma_wait3A_85] : memref<160000x16xf32, #tpu.memory_space<hbm>> -> memref<160000x16xf32, #tpu.memory_space<hbm>>
      tpu.wait_indirect_dma semaphore(%arg16 : memref<!tpu.dma_semaphore, #tpu.memory_space<semaphore_mem>>) src(%dma_wait3A_86 : memref<160000x16xf32, #tpu.memory_space<hbm>>) dst(%arg10 : memref<400x16xf32, #tpu.memory_space<vmem>>)
      %add3A_87 = arith.constant 0 : i32
      %add3A_88 = arith.addi %mul3A_81, %add3A_87 : i32
      %mul3A_89 = arith.constant 400 : i32
      %mul3A_90 = arith.muli %add3A_88, %mul3A_89 : i32
      %dma_start3A_91 = tpu.memref_slice %arg7[%mul3A_90] : memref<10000xi32, #tpu.memory_space<vmem>> -> memref<400xi32, #tpu.memory_space<vmem>>
      %dma_start3A_92 = arith.constant 0 : i32
      %dma_start3A_93 = arith.constant 0 : i32
      %dma_start3A_94 = tpu.memref_slice %arg15[%dma_start3A_92, %dma_start3A_93] : memref<10000x16xf32, #tpu.memory_space<vmem_shared>> -> memref<10000x16xf32, #tpu.memory_space<vmem_shared>>
      tpu.enqueue_indirect_dma source(%arg10 : memref<400x16xf32, #tpu.memory_space<vmem>>) target(%dma_start3A_94 : memref<10000x16xf32, #tpu.memory_space<vmem_shared>>) offsets(%dma_start3A_91 : memref<400xi32, #tpu.memory_space<vmem>>) semaphore(%arg21 : memref<!tpu.dma_semaphore, #tpu.memory_space<semaphore_mem>>) {add = true}
      %dma_wait3A_95 = arith.constant 0 : i32
      %dma_wait3A_96 = tpu.memref_slice %arg8[%dma_wait3A_95] : memref<10000xi32, #tpu.memory_space<vmem>> -> memref<400xi32, #tpu.memory_space<vmem>>
      %dma_wait3A_97 = arith.constant 0 : i32
      %dma_wait3A_98 = arith.constant 0 : i32
      %dma_wait3A_99 = tpu.memref_slice %arg2[%dma_wait3A_97, %dma_wait3A_98] : memref<160000x16xf32, #tpu.memory_space<hbm>> -> memref<160000x16xf32, #tpu.memory_space<hbm>>
      tpu.wait_indirect_dma semaphore(%arg17 : memref<!tpu.dma_semaphore, #tpu.memory_space<semaphore_mem>>) src(%dma_wait3A_99 : memref<160000x16xf32, #tpu.memory_space<hbm>>) dst(%arg11 : memref<400x16xf32, #tpu.memory_space<vmem>>)
      %add3A_100 = arith.constant 1 : i32
      %add3A_101 = arith.addi %mul3A_81, %add3A_100 : i32
      %mul3A_102 = arith.constant 400 : i32
      %mul3A_103 = arith.muli %add3A_101, %mul3A_102 : i32
      %dma_start3A_104 = tpu.memref_slice %arg7[%mul3A_103] : memref<10000xi32, #tpu.memory_space<vmem>> -> memref<400xi32, #tpu.memory_space<vmem>>
      %dma_start3A_105 = arith.constant 0 : i32
      %dma_start3A_106 = arith.constant 0 : i32
      %dma_start3A_107 = tpu.memref_slice %arg15[%dma_start3A_105, %dma_start3A_106] : memref<10000x16xf32, #tpu.memory_space<vmem_shared>> -> memref<10000x16xf32, #tpu.memory_space<vmem_shared>>
      tpu.enqueue_indirect_dma source(%arg11 : memref<400x16xf32, #tpu.memory_space<vmem>>) target(%dma_start3A_107 : memref<10000x16xf32, #tpu.memory_space<vmem_shared>>) offsets(%dma_start3A_104 : memref<400xi32, #tpu.memory_space<vmem>>) semaphore(%arg22 : memref<!tpu.dma_semaphore, #tpu.memory_space<semaphore_mem>>) {add = true}
      %dma_wait3A_108 = arith.constant 0 : i32
      %dma_wait3A_109 = tpu.memref_slice %arg8[%dma_wait3A_108] : memref<10000xi32, #tpu.memory_space<vmem>> -> memref<400xi32, #tpu.memory_space<vmem>>
      %dma_wait3A_110 = arith.constant 0 : i32
      %dma_wait3A_111 = arith.constant 0 : i32
      %dma_wait3A_112 = tpu.memref_slice %arg2[%dma_wait3A_110, %dma_wait3A_111] : memref<160000x16xf32, #tpu.memory_space<hbm>> -> memref<160000x16xf32, #tpu.memory_space<hbm>>
      tpu.wait_indirect_dma semaphore(%arg18 : memref<!tpu.dma_semaphore, #tpu.memory_space<semaphore_mem>>) src(%dma_wait3A_112 : memref<160000x16xf32, #tpu.memory_space<hbm>>) dst(%arg12 : memref<400x16xf32, #tpu.memory_space<vmem>>)
      %add3A_113 = arith.constant 2 : i32
      %add3A_114 = arith.addi %mul3A_81, %add3A_113 : i32
      %mul3A_115 = arith.constant 400 : i32
      %mul3A_116 = arith.muli %add3A_114, %mul3A_115 : i32
      %dma_start3A_117 = tpu.memref_slice %arg7[%mul3A_116] : memref<10000xi32, #tpu.memory_space<vmem>> -> memref<400xi32, #tpu.memory_space<vmem>>
      %dma_start3A_118 = arith.constant 0 : i32
      %dma_start3A_119 = arith.constant 0 : i32
      %dma_start3A_120 = tpu.memref_slice %arg15[%dma_start3A_118, %dma_start3A_119] : memref<10000x16xf32, #tpu.memory_space<vmem_shared>> -> memref<10000x16xf32, #tpu.memory_space<vmem_shared>>
      tpu.enqueue_indirect_dma source(%arg12 : memref<400x16xf32, #tpu.memory_space<vmem>>) target(%dma_start3A_120 : memref<10000x16xf32, #tpu.memory_space<vmem_shared>>) offsets(%dma_start3A_117 : memref<400xi32, #tpu.memory_space<vmem>>) semaphore(%arg23 : memref<!tpu.dma_semaphore, #tpu.memory_space<semaphore_mem>>) {add = true}
      %dma_wait3A_121 = arith.constant 0 : i32
      %dma_wait3A_122 = tpu.memref_slice %arg8[%dma_wait3A_121] : memref<10000xi32, #tpu.memory_space<vmem>> -> memref<400xi32, #tpu.memory_space<vmem>>
      %dma_wait3A_123 = arith.constant 0 : i32
      %dma_wait3A_124 = arith.constant 0 : i32
      %dma_wait3A_125 = tpu.memref_slice %arg2[%dma_wait3A_123, %dma_wait3A_124] : memref<160000x16xf32, #tpu.memory_space<hbm>> -> memref<160000x16xf32, #tpu.memory_space<hbm>>
      tpu.wait_indirect_dma semaphore(%arg19 : memref<!tpu.dma_semaphore, #tpu.memory_space<semaphore_mem>>) src(%dma_wait3A_125 : memref<160000x16xf32, #tpu.memory_space<hbm>>) dst(%arg13 : memref<400x16xf32, #tpu.memory_space<vmem>>)
      %add3A_126 = arith.constant 3 : i32
      %add3A_127 = arith.addi %mul3A_81, %add3A_126 : i32
      %mul3A_128 = arith.constant 400 : i32
      %mul3A_129 = arith.muli %add3A_127, %mul3A_128 : i32
      %dma_start3A_130 = tpu.memref_slice %arg7[%mul3A_129] : memref<10000xi32, #tpu.memory_space<vmem>> -> memref<400xi32, #tpu.memory_space<vmem>>
      %dma_start3A_131 = arith.constant 0 : i32
      %dma_start3A_132 = arith.constant 0 : i32
      %dma_start3A_133 = tpu.memref_slice %arg15[%dma_start3A_131, %dma_start3A_132] : memref<10000x16xf32, #tpu.memory_space<vmem_shared>> -> memref<10000x16xf32, #tpu.memory_space<vmem_shared>>
      tpu.enqueue_indirect_dma source(%arg13 : memref<400x16xf32, #tpu.memory_space<vmem>>) target(%dma_start3A_133 : memref<10000x16xf32, #tpu.memory_space<vmem_shared>>) offsets(%dma_start3A_130 : memref<400xi32, #tpu.memory_space<vmem>>) semaphore(%arg24 : memref<!tpu.dma_semaphore, #tpu.memory_space<semaphore_mem>>) {add = true}
      %dma_wait3A_134 = arith.constant 0 : i32
      %dma_wait3A_135 = tpu.memref_slice %arg8[%dma_wait3A_134] : memref<10000xi32, #tpu.memory_space<vmem>> -> memref<400xi32, #tpu.memory_space<vmem>>
      %dma_wait3A_136 = arith.constant 0 : i32
      %dma_wait3A_137 = arith.constant 0 : i32
      %dma_wait3A_138 = tpu.memref_slice %arg2[%dma_wait3A_136, %dma_wait3A_137] : memref<160000x16xf32, #tpu.memory_space<hbm>> -> memref<160000x16xf32, #tpu.memory_space<hbm>>
      tpu.wait_indirect_dma semaphore(%arg20 : memref<!tpu.dma_semaphore, #tpu.memory_space<semaphore_mem>>) src(%dma_wait3A_138 : memref<160000x16xf32, #tpu.memory_space<hbm>>) dst(%arg14 : memref<400x16xf32, #tpu.memory_space<vmem>>)
      %add3A_139 = arith.constant 4 : i32
      %add3A_140 = arith.addi %mul3A_81, %add3A_139 : i32
      %mul3A_141 = arith.constant 400 : i32
      %mul3A_142 = arith.muli %add3A_140, %mul3A_141 : i32
      %dma_start3A_143 = tpu.memref_slice %arg7[%mul3A_142] : memref<10000xi32, #tpu.memory_space<vmem>> -> memref<400xi32, #tpu.memory_space<vmem>>
      %dma_start3A_144 = arith.constant 0 : i32
      %dma_start3A_145 = arith.constant 0 : i32
      %dma_start3A_146 = tpu.memref_slice %arg15[%dma_start3A_144, %dma_start3A_145] : memref<10000x16xf32, #tpu.memory_space<vmem_shared>> -> memref<10000x16xf32, #tpu.memory_space<vmem_shared>>
      tpu.enqueue_indirect_dma source(%arg14 : memref<400x16xf32, #tpu.memory_space<vmem>>) target(%dma_start3A_146 : memref<10000x16xf32, #tpu.memory_space<vmem_shared>>) offsets(%dma_start3A_143 : memref<400xi32, #tpu.memory_space<vmem>>) semaphore(%arg25 : memref<!tpu.dma_semaphore, #tpu.memory_space<semaphore_mem>>) {add = true}
      %dma_wait3A_147 = arith.constant 0 : i32
      %dma_wait3A_148 = tpu.memref_slice %arg7[%dma_wait3A_147] : memref<10000xi32, #tpu.memory_space<vmem>> -> memref<400xi32, #tpu.memory_space<vmem>>
      %dma_wait3A_149 = arith.constant 0 : i32
      %dma_wait3A_150 = arith.constant 0 : i32
      %dma_wait3A_151 = tpu.memref_slice %arg15[%dma_wait3A_149, %dma_wait3A_150] : memref<10000x16xf32, #tpu.memory_space<vmem_shared>> -> memref<10000x16xf32, #tpu.memory_space<vmem_shared>>
      tpu.wait_indirect_dma semaphore(%arg21 : memref<!tpu.dma_semaphore, #tpu.memory_space<semaphore_mem>>) src(%arg10 : memref<400x16xf32, #tpu.memory_space<vmem>>) dst(%dma_wait3A_151 : memref<10000x16xf32, #tpu.memory_space<vmem_shared>>)
      %add3A_152 = arith.constant 5 : i32
      %add3A_153 = arith.addi %mul3A_81, %add3A_152 : i32
      %add3A_154 = arith.constant 0 : i32
      %add3A_155 = arith.addi %add3A_153, %add3A_154 : i32
      %lt3A = arith.constant 25 : i32
      %lt3A_156 = arith.cmpi slt, %add3A_155, %lt3A : i32
      %convert_element_type3A = arith.extui %lt3A_156 : i1 to i32
      %cond3A = arith.constant 0 : i32
      %cond3A_157 = arith.cmpi ne, %convert_element_type3A, %cond3A : i32
      scf.if %cond3A_157 {
        %add3A_214 = arith.constant 5 : i32
        %add3A_215 = arith.addi %mul3A_81, %add3A_214 : i32
        %add3A_216 = arith.constant 0 : i32
        %add3A_217 = arith.addi %add3A_215, %add3A_216 : i32
        %mul3A_218 = arith.constant 400 : i32
        %mul3A_219 = arith.muli %add3A_217, %mul3A_218 : i32
        %dma_start3A_220 = tpu.memref_slice %arg8[%mul3A_219] : memref<10000xi32, #tpu.memory_space<vmem>> -> memref<400xi32, #tpu.memory_space<vmem>>
        %dma_start3A_221 = arith.constant 0 : i32
        %dma_start3A_222 = arith.constant 0 : i32
        %dma_start3A_223 = tpu.memref_slice %arg2[%dma_start3A_221, %dma_start3A_222] : memref<160000x16xf32, #tpu.memory_space<hbm>> -> memref<160000x16xf32, #tpu.memory_space<hbm>>
        tpu.enqueue_indirect_dma source(%dma_start3A_223 : memref<160000x16xf32, #tpu.memory_space<hbm>>) target(%arg10 : memref<400x16xf32, #tpu.memory_space<vmem>>) offsets(%dma_start3A_220 : memref<400xi32, #tpu.memory_space<vmem>>) semaphore(%arg16 : memref<!tpu.dma_semaphore, #tpu.memory_space<semaphore_mem>>)
      } else {
      }
      %dma_wait3A_158 = arith.constant 0 : i32
      %dma_wait3A_159 = tpu.memref_slice %arg7[%dma_wait3A_158] : memref<10000xi32, #tpu.memory_space<vmem>> -> memref<400xi32, #tpu.memory_space<vmem>>
      %dma_wait3A_160 = arith.constant 0 : i32
      %dma_wait3A_161 = arith.constant 0 : i32
      %dma_wait3A_162 = tpu.memref_slice %arg15[%dma_wait3A_160, %dma_wait3A_161] : memref<10000x16xf32, #tpu.memory_space<vmem_shared>> -> memref<10000x16xf32, #tpu.memory_space<vmem_shared>>
      tpu.wait_indirect_dma semaphore(%arg22 : memref<!tpu.dma_semaphore, #tpu.memory_space<semaphore_mem>>) src(%arg11 : memref<400x16xf32, #tpu.memory_space<vmem>>) dst(%dma_wait3A_162 : memref<10000x16xf32, #tpu.memory_space<vmem_shared>>)
      %add3A_163 = arith.constant 5 : i32
      %add3A_164 = arith.addi %mul3A_81, %add3A_163 : i32
      %add3A_165 = arith.constant 1 : i32
      %add3A_166 = arith.addi %add3A_164, %add3A_165 : i32
      %lt3A_167 = arith.constant 25 : i32
      %lt3A_168 = arith.cmpi slt, %add3A_166, %lt3A_167 : i32
      %convert_element_type3A_169 = arith.extui %lt3A_168 : i1 to i32
      %cond3A_170 = arith.constant 0 : i32
      %cond3A_171 = arith.cmpi ne, %convert_element_type3A_169, %cond3A_170 : i32
      scf.if %cond3A_171 {
        %add3A_214 = arith.constant 5 : i32
        %add3A_215 = arith.addi %mul3A_81, %add3A_214 : i32
        %add3A_216 = arith.constant 1 : i32
        %add3A_217 = arith.addi %add3A_215, %add3A_216 : i32
        %mul3A_218 = arith.constant 400 : i32
        %mul3A_219 = arith.muli %add3A_217, %mul3A_218 : i32
        %dma_start3A_220 = tpu.memref_slice %arg8[%mul3A_219] : memref<10000xi32, #tpu.memory_space<vmem>> -> memref<400xi32, #tpu.memory_space<vmem>>
        %dma_start3A_221 = arith.constant 0 : i32
        %dma_start3A_222 = arith.constant 0 : i32
        %dma_start3A_223 = tpu.memref_slice %arg2[%dma_start3A_221, %dma_start3A_222] : memref<160000x16xf32, #tpu.memory_space<hbm>> -> memref<160000x16xf32, #tpu.memory_space<hbm>>
        tpu.enqueue_indirect_dma source(%dma_start3A_223 : memref<160000x16xf32, #tpu.memory_space<hbm>>) target(%arg11 : memref<400x16xf32, #tpu.memory_space<vmem>>) offsets(%dma_start3A_220 : memref<400xi32, #tpu.memory_space<vmem>>) semaphore(%arg17 : memref<!tpu.dma_semaphore, #tpu.memory_space<semaphore_mem>>)
      } else {
      }
      %dma_wait3A_172 = arith.constant 0 : i32
      %dma_wait3A_173 = tpu.memref_slice %arg7[%dma_wait3A_172] : memref<10000xi32, #tpu.memory_space<vmem>> -> memref<400xi32, #tpu.memory_space<vmem>>
      %dma_wait3A_174 = arith.constant 0 : i32
      %dma_wait3A_175 = arith.constant 0 : i32
      %dma_wait3A_176 = tpu.memref_slice %arg15[%dma_wait3A_174, %dma_wait3A_175] : memref<10000x16xf32, #tpu.memory_space<vmem_shared>> -> memref<10000x16xf32, #tpu.memory_space<vmem_shared>>
      tpu.wait_indirect_dma semaphore(%arg23 : memref<!tpu.dma_semaphore, #tpu.memory_space<semaphore_mem>>) src(%arg12 : memref<400x16xf32, #tpu.memory_space<vmem>>) dst(%dma_wait3A_176 : memref<10000x16xf32, #tpu.memory_space<vmem_shared>>)
      %add3A_177 = arith.constant 5 : i32
      %add3A_178 = arith.addi %mul3A_81, %add3A_177 : i32
      %add3A_179 = arith.constant 2 : i32
      %add3A_180 = arith.addi %add3A_178, %add3A_179 : i32
      %lt3A_181 = arith.constant 25 : i32
      %lt3A_182 = arith.cmpi slt, %add3A_180, %lt3A_181 : i32
      %convert_element_type3A_183 = arith.extui %lt3A_182 : i1 to i32
      %cond3A_184 = arith.constant 0 : i32
      %cond3A_185 = arith.cmpi ne, %convert_element_type3A_183, %cond3A_184 : i32
      scf.if %cond3A_185 {
        %add3A_214 = arith.constant 5 : i32
        %add3A_215 = arith.addi %mul3A_81, %add3A_214 : i32
        %add3A_216 = arith.constant 2 : i32
        %add3A_217 = arith.addi %add3A_215, %add3A_216 : i32
        %mul3A_218 = arith.constant 400 : i32
        %mul3A_219 = arith.muli %add3A_217, %mul3A_218 : i32
        %dma_start3A_220 = tpu.memref_slice %arg8[%mul3A_219] : memref<10000xi32, #tpu.memory_space<vmem>> -> memref<400xi32, #tpu.memory_space<vmem>>
        %dma_start3A_221 = arith.constant 0 : i32
        %dma_start3A_222 = arith.constant 0 : i32
        %dma_start3A_223 = tpu.memref_slice %arg2[%dma_start3A_221, %dma_start3A_222] : memref<160000x16xf32, #tpu.memory_space<hbm>> -> memref<160000x16xf32, #tpu.memory_space<hbm>>
        tpu.enqueue_indirect_dma source(%dma_start3A_223 : memref<160000x16xf32, #tpu.memory_space<hbm>>) target(%arg12 : memref<400x16xf32, #tpu.memory_space<vmem>>) offsets(%dma_start3A_220 : memref<400xi32, #tpu.memory_space<vmem>>) semaphore(%arg18 : memref<!tpu.dma_semaphore, #tpu.memory_space<semaphore_mem>>)
      } else {
      }
      %dma_wait3A_186 = arith.constant 0 : i32
      %dma_wait3A_187 = tpu.memref_slice %arg7[%dma_wait3A_186] : memref<10000xi32, #tpu.memory_space<vmem>> -> memref<400xi32, #tpu.memory_space<vmem>>
      %dma_wait3A_188 = arith.constant 0 : i32
      %dma_wait3A_189 = arith.constant 0 : i32
      %dma_wait3A_190 = tpu.memref_slice %arg15[%dma_wait3A_188, %dma_wait3A_189] : memref<10000x16xf32, #tpu.memory_space<vmem_shared>> -> memref<10000x16xf32, #tpu.memory_space<vmem_shared>>
      tpu.wait_indirect_dma semaphore(%arg24 : memref<!tpu.dma_semaphore, #tpu.memory_space<semaphore_mem>>) src(%arg13 : memref<400x16xf32, #tpu.memory_space<vmem>>) dst(%dma_wait3A_190 : memref<10000x16xf32, #tpu.memory_space<vmem_shared>>)
      %add3A_191 = arith.constant 5 : i32
      %add3A_192 = arith.addi %mul3A_81, %add3A_191 : i32
      %add3A_193 = arith.constant 3 : i32
      %add3A_194 = arith.addi %add3A_192, %add3A_193 : i32
      %lt3A_195 = arith.constant 25 : i32
      %lt3A_196 = arith.cmpi slt, %add3A_194, %lt3A_195 : i32
      %convert_element_type3A_197 = arith.extui %lt3A_196 : i1 to i32
      %cond3A_198 = arith.constant 0 : i32
      %cond3A_199 = arith.cmpi ne, %convert_element_type3A_197, %cond3A_198 : i32
      scf.if %cond3A_199 {
        %add3A_214 = arith.constant 5 : i32
        %add3A_215 = arith.addi %mul3A_81, %add3A_214 : i32
        %add3A_216 = arith.constant 3 : i32
        %add3A_217 = arith.addi %add3A_215, %add3A_216 : i32
        %mul3A_218 = arith.constant 400 : i32
        %mul3A_219 = arith.muli %add3A_217, %mul3A_218 : i32
        %dma_start3A_220 = tpu.memref_slice %arg8[%mul3A_219] : memref<10000xi32, #tpu.memory_space<vmem>> -> memref<400xi32, #tpu.memory_space<vmem>>
        %dma_start3A_221 = arith.constant 0 : i32
        %dma_start3A_222 = arith.constant 0 : i32
        %dma_start3A_223 = tpu.memref_slice %arg2[%dma_start3A_221, %dma_start3A_222] : memref<160000x16xf32, #tpu.memory_space<hbm>> -> memref<160000x16xf32, #tpu.memory_space<hbm>>
        tpu.enqueue_indirect_dma source(%dma_start3A_223 : memref<160000x16xf32, #tpu.memory_space<hbm>>) target(%arg13 : memref<400x16xf32, #tpu.memory_space<vmem>>) offsets(%dma_start3A_220 : memref<400xi32, #tpu.memory_space<vmem>>) semaphore(%arg19 : memref<!tpu.dma_semaphore, #tpu.memory_space<semaphore_mem>>)
      } else {
      }
      %dma_wait3A_200 = arith.constant 0 : i32
      %dma_wait3A_201 = tpu.memref_slice %arg7[%dma_wait3A_200] : memref<10000xi32, #tpu.memory_space<vmem>> -> memref<400xi32, #tpu.memory_space<vmem>>
      %dma_wait3A_202 = arith.constant 0 : i32
      %dma_wait3A_203 = arith.constant 0 : i32
      %dma_wait3A_204 = tpu.memref_slice %arg15[%dma_wait3A_202, %dma_wait3A_203] : memref<10000x16xf32, #tpu.memory_space<vmem_shared>> -> memref<10000x16xf32, #tpu.memory_space<vmem_shared>>
      tpu.wait_indirect_dma semaphore(%arg25 : memref<!tpu.dma_semaphore, #tpu.memory_space<semaphore_mem>>) src(%arg14 : memref<400x16xf32, #tpu.memory_space<vmem>>) dst(%dma_wait3A_204 : memref<10000x16xf32, #tpu.memory_space<vmem_shared>>)
      %add3A_205 = arith.constant 5 : i32
      %add3A_206 = arith.addi %mul3A_81, %add3A_205 : i32
      %add3A_207 = arith.constant 4 : i32
      %add3A_208 = arith.addi %add3A_206, %add3A_207 : i32
      %lt3A_209 = arith.constant 25 : i32
      %lt3A_210 = arith.cmpi slt, %add3A_208, %lt3A_209 : i32
      %convert_element_type3A_211 = arith.extui %lt3A_210 : i1 to i32
      %cond3A_212 = arith.constant 0 : i32
      %cond3A_213 = arith.cmpi ne, %convert_element_type3A_211, %cond3A_212 : i32
      scf.if %cond3A_213 {
        %add3A_214 = arith.constant 5 : i32
        %add3A_215 = arith.addi %mul3A_81, %add3A_214 : i32
        %add3A_216 = arith.constant 4 : i32
        %add3A_217 = arith.addi %add3A_215, %add3A_216 : i32
        %mul3A_218 = arith.constant 400 : i32
        %mul3A_219 = arith.muli %add3A_217, %mul3A_218 : i32
        %dma_start3A_220 = tpu.memref_slice %arg8[%mul3A_219] : memref<10000xi32, #tpu.memory_space<vmem>> -> memref<400xi32, #tpu.memory_space<vmem>>
        %dma_start3A_221 = arith.constant 0 : i32
        %dma_start3A_222 = arith.constant 0 : i32
        %dma_start3A_223 = tpu.memref_slice %arg2[%dma_start3A_221, %dma_start3A_222] : memref<160000x16xf32, #tpu.memory_space<hbm>> -> memref<160000x16xf32, #tpu.memory_space<hbm>>
        tpu.enqueue_indirect_dma source(%dma_start3A_223 : memref<160000x16xf32, #tpu.memory_space<hbm>>) target(%arg14 : memref<400x16xf32, #tpu.memory_space<vmem>>) offsets(%dma_start3A_220 : memref<400xi32, #tpu.memory_space<vmem>>) semaphore(%arg20 : memref<!tpu.dma_semaphore, #tpu.memory_space<semaphore_mem>>)
      } else {
      }
    }
    %scan3A_77 = arith.constant 5 : i32
    %barrier3A_78 = arith.constant 0 : index
    tpu.barrier barrier_id(%barrier3A_78)
    "tpu.region"() ({
      %run_scoped3A = tpu.sem_alloc : memref<!tpu.dma_semaphore, #tpu.memory_space<semaphore_mem>>
      %dma_start3A_79 = arith.constant 0 : i32
      %dma_start3A_80 = tpu.memref_slice %arg5[%arg0, %mul3A_4, %dma_start3A_79] : memref<2x10000x16xf32, #tpu.memory_space<hbm>> -> memref<1x640x16xf32, #tpu.memory_space<hbm>>
      %dma_start3A_81 = tpu.memref_squeeze %dma_start3A_80 : memref<1x640x16xf32, #tpu.memory_space<hbm>> -> memref<640x16xf32, #tpu.memory_space<hbm>>
      %dma_start3A_82 = arith.constant 0 : i32
      %dma_start3A_83 = tpu.memref_slice %arg15[%mul3A_4, %dma_start3A_82] : memref<10000x16xf32, #tpu.memory_space<vmem_shared>> -> memref<640x16xf32, #tpu.memory_space<vmem_shared>>
      tpu.enqueue_dma source(%dma_start3A_83 : memref<640x16xf32, #tpu.memory_space<vmem_shared>>) target(%dma_start3A_81 : memref<640x16xf32, #tpu.memory_space<hbm>>) target_semaphore(%run_scoped3A : memref<!tpu.dma_semaphore, #tpu.memory_space<semaphore_mem>>)
      %dma_wait3A_84 = arith.constant 0 : i32
      %dma_wait3A_85 = tpu.memref_slice %arg5[%arg0, %mul3A_4, %dma_wait3A_84] : memref<2x10000x16xf32, #tpu.memory_space<hbm>> -> memref<1x640x16xf32, #tpu.memory_space<hbm>>
      %dma_wait3A_86 = tpu.memref_squeeze %dma_wait3A_85 : memref<1x640x16xf32, #tpu.memory_space<hbm>> -> memref<640x16xf32, #tpu.memory_space<hbm>>
      %dma_wait3A_87 = arith.constant 0 : i32
      %dma_wait3A_88 = tpu.memref_slice %arg15[%mul3A_4, %dma_wait3A_87] : memref<10000x16xf32, #tpu.memory_space<vmem_shared>> -> memref<640x16xf32, #tpu.memory_space<vmem_shared>>
      tpu.wait_dma2 semaphore(%run_scoped3A : memref<!tpu.dma_semaphore, #tpu.memory_space<semaphore_mem>>) src(%dma_wait3A_88 : memref<640x16xf32, #tpu.memory_space<vmem_shared>>) dst(%dma_wait3A_86 : memref<640x16xf32, #tpu.memory_space<hbm>>)
      tpu.yield
    }) : () -> ()
    return
  }
}

module attributes {stable_mosaic.version = 14 : i64} {
  func.func @_ytab_body(%arg0: i32, %arg1: memref<2000x16xf32, #tpu.memory_space<vmem>>, %arg2: memref<16x256xf32, #tpu.memory_space<vmem>>, %arg3: memref<2000x256xf32, #tpu.memory_space<vmem>>) attributes {dimension_semantics = [#tpu.dimension_semantics<arbitrary>], iteration_bounds = array<i64: 5>, scalar_prefetch = 0 : i64, scratch_operands = 0 : i64, tpu.core_type = #tpu.core_type<tc>, window_params = [{transform_indices = @transform_0, window_bounds = array<i64: 2000, 16>}, {pipeline_mode = #tpu.pipeline_mode<synchronous>, transform_indices = @transform_1, window_bounds = array<i64: 16, 256>}, {transform_indices = @transform_2, window_bounds = array<i64: 2000, 256>}]} {
    %get3A = arith.constant 0 : index
    %get3A_0 = arith.constant 0 : index
    %get3A_1 = vector.load %arg1[%get3A, %get3A_0] : memref<2000x16xf32, #tpu.memory_space<vmem>>, vector<2000x16xf32>
    %get3A_2 = arith.constant 0 : index
    %get3A_3 = arith.constant 0 : index
    %get3A_4 = vector.load %arg2[%get3A_2, %get3A_3] : memref<16x256xf32, #tpu.memory_space<vmem>>, vector<16x256xf32>
    %dot_general3A = arith.constant dense<0.000000e+00> : vector<2000x256xf32>
    %dot_general3A_5 = tpu.matmul %get3A_1, %get3A_4, %dot_general3A {dimension_numbers = #tpu.dot_dimension_numbers<[1], [0], [0], [1], [0, 0, 1, 1], [], []>, transpose_lhs_hint = false} : vector<2000x16xf32>, vector<16x256xf32>, vector<2000x256xf32> -> vector<2000x256xf32>
    %swap3A = arith.constant 0 : index
    %swap3A_6 = arith.constant 0 : index
    %swap3A_7 = vector.load %arg3[%swap3A, %swap3A_6] : memref<2000x256xf32, #tpu.memory_space<vmem>>, vector<2000x256xf32>
    tpu.vector_store %arg3[%swap3A, %swap3A_6], %dot_general3A_5 {strides = array<i32>} : memref<2000x256xf32, #tpu.memory_space<vmem>>, vector<2000x256xf32>,
    return
  }
  func.func @transform_0(%arg0: i32) -> (i32, i32) {
    %c0_i32 = arith.constant 0 : i32
    %c0_i32_0 = arith.constant 0 : i32
    return %arg0, %c0_i32 : i32, i32
  }
  func.func @transform_1(%arg0: i32) -> (i32, i32) {
    %c0_i32 = arith.constant 0 : i32
    %c0_i32_0 = arith.constant 0 : i32
    %c0_i32_1 = arith.constant 0 : i32
    return %c0_i32, %c0_i32_0 : i32, i32
  }
  func.func @transform_2(%arg0: i32) -> (i32, i32) {
    %c0_i32 = arith.constant 0 : i32
    %c0_i32_0 = arith.constant 0 : i32
    return %arg0, %c0_i32 : i32, i32
  }
}

module attributes {stable_mosaic.version = 14 : i64} {
  func.func @_gru_body(%arg0: i32, %arg1: memref<2x2000x16xf32, #tpu.memory_space<vmem>>, %arg2: memref<2000x16xf32, #tpu.memory_space<vmem>>, %arg3: memref<48x16xf32, #tpu.memory_space<vmem>>, %arg4: memref<48x16xf32, #tpu.memory_space<vmem>>, %arg5: memref<48x1xf32, #tpu.memory_space<vmem>>, %arg6: memref<48x1xf32, #tpu.memory_space<vmem>>, %arg7: memref<2000x16xf32, #tpu.memory_space<vmem>>) attributes {dimension_semantics = [#tpu.dimension_semantics<arbitrary>], iteration_bounds = array<i64: 5>, scalar_prefetch = 0 : i64, scratch_operands = 0 : i64, tpu.core_type = #tpu.core_type<tc>, window_params = [{transform_indices = @transform_0, window_bounds = array<i64: 2, 2000, 16>}, {transform_indices = @transform_1, window_bounds = array<i64: 2000, 16>}, {pipeline_mode = #tpu.pipeline_mode<synchronous>, transform_indices = @transform_2, window_bounds = array<i64: 48, 16>}, {pipeline_mode = #tpu.pipeline_mode<synchronous>, transform_indices = @transform_3, window_bounds = array<i64: 48, 16>}, {pipeline_mode = #tpu.pipeline_mode<synchronous>, transform_indices = @transform_4, window_bounds = array<i64: 48, 1>}, {pipeline_mode = #tpu.pipeline_mode<synchronous>, transform_indices = @transform_5, window_bounds = array<i64: 48, 1>}, {transform_indices = @transform_6, window_bounds = array<i64: 2000, 16>}]} {
    %get3A = arith.constant 0 : index
    %get3A_0 = arith.constant 0 : index
    %get3A_1 = arith.constant 0 : index
    %get3A_2 = vector.load %arg1[%get3A, %get3A_0, %get3A_1] : memref<2x2000x16xf32, #tpu.memory_space<vmem>>, vector<1x2000x16xf32>
    %get3A_3 = vector.shape_cast %get3A_2 : vector<1x2000x16xf32> to vector<2000x16xf32>
    %get3A_4 = arith.constant 1 : index
    %get3A_5 = arith.constant 0 : index
    %get3A_6 = arith.constant 0 : index
    %get3A_7 = vector.load %arg1[%get3A_4, %get3A_5, %get3A_6] : memref<2x2000x16xf32, #tpu.memory_space<vmem>>, vector<1x2000x16xf32>
    %get3A_8 = vector.shape_cast %get3A_7 : vector<1x2000x16xf32> to vector<2000x16xf32>
    %add3A = arith.addf %get3A_3, %get3A_8 : vector<2000x16xf32>
    %get3A_9 = arith.constant 0 : index
    %get3A_10 = arith.constant 0 : index
    %get3A_11 = vector.load %arg2[%get3A_9, %get3A_10] : memref<2000x16xf32, #tpu.memory_space<vmem>>, vector<2000x16xf32>
    %get3A_12 = arith.constant 0 : index
    %get3A_13 = arith.constant 0 : index
    %get3A_14 = vector.load %arg3[%get3A_12, %get3A_13] : memref<48x16xf32, #tpu.memory_space<vmem>>, vector<48x16xf32>
    %dot_general3A = arith.constant dense<0.000000e+00> : vector<48x2000xf32>
    %dot_general3A_15 = tpu.matmul %get3A_14, %add3A, %dot_general3A {dimension_numbers = #tpu.dot_dimension_numbers<[1], [1], [0], [0], [0, 0, 1, 0], [], []>, transpose_lhs_hint = false} : vector<48x16xf32>, vector<2000x16xf32>, vector<48x2000xf32> -> vector<48x2000xf32>
    %get3A_16 = arith.constant 0 : index
    %get3A_17 = arith.constant 0 : index
    %get3A_18 = vector.load %arg5[%get3A_16, %get3A_17] : memref<48x1xf32, #tpu.memory_space<vmem>>, vector<48x1xf32>
    %add3A_19 = vector.broadcast %get3A_18 : vector<48x1xf32> to vector<48x2000xf32>
    %add3A_20 = arith.addf %dot_general3A_15, %add3A_19 : vector<48x2000xf32>
    %get3A_21 = arith.constant 0 : index
    %get3A_22 = arith.constant 0 : index
    %get3A_23 = vector.load %arg4[%get3A_21, %get3A_22] : memref<48x16xf32, #tpu.memory_space<vmem>>, vector<48x16xf32>
    %dot_general3A_24 = arith.constant dense<0.000000e+00> : vector<48x2000xf32>
    %dot_general3A_25 = tpu.matmul %get3A_23, %get3A_11, %dot_general3A_24 {dimension_numbers = #tpu.dot_dimension_numbers<[1], [1], [0], [0], [0, 0, 1, 0], [], []>, transpose_lhs_hint = false} : vector<48x16xf32>, vector<2000x16xf32>, vector<48x2000xf32> -> vector<48x2000xf32>
    %get3A_26 = arith.constant 0 : index
    %get3A_27 = arith.constant 0 : index
    %get3A_28 = vector.load %arg6[%get3A_26, %get3A_27] : memref<48x1xf32, #tpu.memory_space<vmem>>, vector<48x1xf32>
    %add3A_29 = vector.broadcast %get3A_28 : vector<48x1xf32> to vector<48x2000xf32>
    %add3A_30 = arith.addf %dot_general3A_25, %add3A_29 : vector<48x2000xf32>
    %transpose3A = tpu.transpose %get3A_11, [1, 0] : vector<2000x16xf32> -> vector<16x2000xf32>
    %slice3A = vector.extract_strided_slice %add3A_20 {offsets = [0, 0], sizes = [16, 2000], strides = [1, 1]} : vector<48x2000xf32> to vector<16x2000xf32>
    %slice3A_31 = vector.extract_strided_slice %add3A_30 {offsets = [0, 0], sizes = [16, 2000], strides = [1, 1]} : vector<48x2000xf32> to vector<16x2000xf32>
    %add3A_32 = arith.addf %slice3A, %slice3A_31 : vector<16x2000xf32>
    %logistic3A = arith.negf %add3A_32 : vector<16x2000xf32>
    %logistic3A_33 = math.exp %logistic3A : vector<16x2000xf32>
    %logistic3A_34 = arith.constant 1.000000e+00 : f32
    %logistic3A_35 = vector.broadcast %logistic3A_34 : f32 to vector<16x2000xf32>
    %logistic3A_36 = arith.addf %logistic3A_35, %logistic3A_33 : vector<16x2000xf32>
    %logistic3A_37 = arith.divf %logistic3A_35, %logistic3A_36 : vector<16x2000xf32>
    %slice3A_38 = vector.extract_strided_slice %add3A_20 {offsets = [16, 0], sizes = [16, 2000], strides = [1, 1]} : vector<48x2000xf32> to vector<16x2000xf32>
    %slice3A_39 = vector.extract_strided_slice %add3A_30 {offsets = [16, 0], sizes = [16, 2000], strides = [1, 1]} : vector<48x2000xf32> to vector<16x2000xf32>
    %add3A_40 = arith.addf %slice3A_38, %slice3A_39 : vector<16x2000xf32>
    %logistic3A_41 = arith.negf %add3A_40 : vector<16x2000xf32>
    %logistic3A_42 = math.exp %logistic3A_41 : vector<16x2000xf32>
    %logistic3A_43 = arith.constant 1.000000e+00 : f32
    %logistic3A_44 = vector.broadcast %logistic3A_43 : f32 to vector<16x2000xf32>
    %logistic3A_45 = arith.addf %logistic3A_44, %logistic3A_42 : vector<16x2000xf32>
    %logistic3A_46 = arith.divf %logistic3A_44, %logistic3A_45 : vector<16x2000xf32>
    %slice3A_47 = vector.extract_strided_slice %add3A_20 {offsets = [32, 0], sizes = [16, 2000], strides = [1, 1]} : vector<48x2000xf32> to vector<16x2000xf32>
    %slice3A_48 = vector.extract_strided_slice %add3A_30 {offsets = [32, 0], sizes = [16, 2000], strides = [1, 1]} : vector<48x2000xf32> to vector<16x2000xf32>
    %mul3A = arith.mulf %logistic3A_37, %slice3A_48 : vector<16x2000xf32>
    %add3A_49 = arith.addf %slice3A_47, %mul3A : vector<16x2000xf32>
    %tanh3A = math.tanh %add3A_49 : vector<16x2000xf32>
    %sub3A = arith.constant 1.000000e+00 : f32
    %sub3A_50 = vector.broadcast %sub3A : f32 to vector<16x2000xf32>
    %sub3A_51 = arith.subf %sub3A_50, %logistic3A_46 : vector<16x2000xf32>
    %mul3A_52 = arith.mulf %sub3A_51, %tanh3A : vector<16x2000xf32>
    %mul3A_53 = arith.mulf %logistic3A_46, %transpose3A : vector<16x2000xf32>
    %add3A_54 = arith.addf %mul3A_52, %mul3A_53 : vector<16x2000xf32>
    %transpose3A_55 = tpu.transpose %add3A_54, [1, 0] : vector<16x2000xf32> -> vector<2000x16xf32>
    %swap3A = arith.constant 0 : index
    %swap3A_56 = arith.constant 0 : index
    %swap3A_57 = vector.load %arg7[%swap3A, %swap3A_56] : memref<2000x16xf32, #tpu.memory_space<vmem>>, vector<2000x16xf32>
    tpu.vector_store %arg7[%swap3A, %swap3A_56], %transpose3A_55 {strides = array<i32>} : memref<2000x16xf32, #tpu.memory_space<vmem>>, vector<2000x16xf32>,
    return
  }
  func.func @transform_0(%arg0: i32) -> (i32, i32, i32) {
    %c0_i32 = arith.constant 0 : i32
    %c0_i32_0 = arith.constant 0 : i32
    %c0_i32_1 = arith.constant 0 : i32
    return %c0_i32, %arg0, %c0_i32_0 : i32, i32, i32
  }
  func.func @transform_1(%arg0: i32) -> (i32, i32) {
    %c0_i32 = arith.constant 0 : i32
    %c0_i32_0 = arith.constant 0 : i32
    return %arg0, %c0_i32 : i32, i32
  }
  func.func @transform_2(%arg0: i32) -> (i32, i32) {
    %c0_i32 = arith.constant 0 : i32
    %c0_i32_0 = arith.constant 0 : i32
    %c0_i32_1 = arith.constant 0 : i32
    return %c0_i32, %c0_i32_0 : i32, i32
  }
  func.func @transform_3(%arg0: i32) -> (i32, i32) {
    %c0_i32 = arith.constant 0 : i32
    %c0_i32_0 = arith.constant 0 : i32
    %c0_i32_1 = arith.constant 0 : i32
    return %c0_i32, %c0_i32_0 : i32, i32
  }
  func.func @transform_4(%arg0: i32) -> (i32, i32) {
    %c0_i32 = arith.constant 0 : i32
    %c0_i32_0 = arith.constant 0 : i32
    %c0_i32_1 = arith.constant 0 : i32
    return %c0_i32, %c0_i32_0 : i32, i32
  }
  func.func @transform_5(%arg0: i32) -> (i32, i32) {
    %c0_i32 = arith.constant 0 : i32
    %c0_i32_0 = arith.constant 0 : i32
    %c0_i32_1 = arith.constant 0 : i32
    return %c0_i32, %c0_i32_0 : i32, i32
  }
  func.func @transform_6(%arg0: i32) -> (i32, i32) {
    %c0_i32 = arith.constant 0 : i32
    %c0_i32_0 = arith.constant 0 : i32
    return %arg0, %c0_i32 : i32, i32
  }
}

</mosaic_0001>

<sc_bundles>
// kernel: kernel.5.cloned.1.call-start
scs
__scs_entry_jumppad:
0x0: {  	(pc) =	sbr.rel $0x88, $3  }
0x1: {  	(tag) =	ssettag $0x0;
	lr =	simm.s32 $0x1  }
0x2: {  	[smem:$0x3F99] =	sst lr;
	_ =	strace $0xD0000000  }
0x3: {  	_ = 	snop  }
0x4: {  	_ = 	snop  }
0x5: {  	_ = 	snop  }
0x6: {  	_ = 	snop  }
0x7: {  	_ = 	snop  }
__scs_overlays_trampoline_lowered:
0x8: {  	[smem:$0x3FA8] =	sst s0  }
0x9: {  	[smem:$0x3FA9] =	sst s1  }
0xa: {  	[smem:$0x3FAA] =	sst s2  }
0xb: {  	[smem:$0x3FAB] =	sst s3  }
0xc: {  	[smem:$0x3FAC] =	sst s4  }
0xd: {  	[smem:$0x3FAD] =	sst s5  }
0xe: {  	[smem:$0x3FAE] =	sst s6  }
0xf: {  	[smem:$0x3FAF] =	sst s7  }
0x10: {  	[smem:$0x3FB0] =	sst s8  }
0x11: {  	[smem:$0x3FB1] =	sst s9;
	s0 =	simm.s32 @!p0 $0x0  }
0x12: {  	s1 =	sld [smem:$0x3F97];
	s0 =	simm.s32 @p0 $0x1  }
0x13: {  	[smem:$0x3FB2] =	sst s0;
	s0 =	simm.s32 @!p1 $0x0  }
0x14: {  	s2 =	sld [smem:$0x3F96];
	s0 =	simm.s32 @p1 $0x1  }
0x15: {  	[smem:$0x3FB3] =	sst s0;
	s0 =	simm.s32 @!p2 $0x0  }
0x16: {  	s3 =	sld [smem:$0x3FDB];
	s0 =	simm.s32 @p2 $0x1  }
0x17: {  	s4 =	simm.s32 $0x1BF5;
	[smem:$0x3FB5] =	sst s0  }
0x18: {  	s0 =	sld [smem:$0x3F98];
	_ =	swait.ge [sflag:s4], $0x0  }
0x19: {  	s7 =	sld [smem:$0x3F99]  }
0x1a: {  	s8 =	sadd.s32 $0xFFFFE003, lr  }
0x1b: {  	s9 =	sadd.s32 $0xFFFFFEF7, lr;
	s5 =	simm.s32 $0xFFFFFFFF;
	p2 =	slt.u32 s8, $0xFFFFF086  }
0x1c: {  	p1 =	slt.u32 s9, $0xF7A;
	s5 =	simm.s32 @!p2 $0x0  }
0x1d: {  	s5 =	simm.s32 @p1 $0x1;
	p0 =	seq.s32 s7, s2  }
0x1e: {  	s7 =	smul.u32 @!p0 $0xF7A, s2;
	p2 =	seq.s32 @!p0 s5, $0x0  }
0x1f: {  	s9 =	smul.u32 $0xF7A, s1;
	s8 =	simm.s32 @!p0 $0x1BF5;
	p2 =	por !p2, p0  }
0x20: {  	[sflag:s8] =	ssyncset.s32 @!p0 $0xFFFFF086;
	s6 =	sadd.s32 @!p0 s3, s7;
	s7 =	simm.s32 @!p0 $0x108  }
0x21: {  	s3 =	sadd.s32 s3, s9;
	s6 =	sadd.s32 @!p0 $0x88, s6;
	s7 =	simm.s32 @p2 $0x1082  }
0x22: {  	[simem:s7], [sflag:s8] =	dma.local @!p0 [hbm:s6], $0xF7A  }
0x23: {  	s9 =	sor.u32 $0xD0000000, s2;
	s6 =	simm.s32 $0x108;
	_ =	swait.ge @!p0 [sflag:s8], $0x0  }
0x24: {  	s3 =	sadd.s32 $0x88, s3;
	s6 =	simm.s32 @!p1 $0x1082;
	[sflag:s4] =	ssyncset.s32 $0xFFFFF086  }
0x25: {  	[simem:s6], [sflag:s4] =	dma.local [hbm:s3], $0xF7A  }
0x26: {  	[smem:$0x3F99] =	sst s1;
	(tag) =	ssettag s2;
	_ =	strace s9  }
0x27: {  	s1 =	sld [smem:$0x3FA9]  }
0x28: {  	s2 =	sld [smem:$0x3FAA]  }
0x29: {  	s4 =	sld [smem:$0x3FAC]  }
0x2a: {  	p0 =	seq.s32 s5, $0x0;
	s5 =	sld [smem:$0x3FAD]  }
0x2b: {  	s6 =	sld [smem:$0x3FAE]  }
0x2c: {  	s7 =	sld [smem:$0x3FAF]  }
0x2d: {  	s3 =	simm.s32 $0x108;
	s8 =	sld [smem:$0x3FB0]  }
0x2e: {  	s3 =	simm.s32 @!p0 $0x1082;
	s9 =	sld [smem:$0x3FB1]  }
0x2f: {  	lr =	sadd.s32 s0, s3;
	s0 =	sld [smem:$0x3FA8]  }
0x30: {  	s3 =	sld [smem:$0x3FAB]  }
0x31: {  	[smem:$0x3FB4] =	sst s10  }
0x32: {  	s10 =	sld [smem:$0x3FB2];
	_ =	sdelay $0x3  }
0x33: {  	p0 =	seq.s32 s10, $0x1;
	s10 =	sld [smem:$0x3FB4];
	_ =	sdelay $0x3  }
0x34: {  	[smem:$0x3FB4] =	sst s10  }
0x35: {  	s10 =	sld [smem:$0x3FB3];
	_ =	sdelay $0x3  }
0x36: {  	p1 =	seq.s32 s10, $0x1;
	s10 =	sld [smem:$0x3FB4];
	_ =	sdelay $0x3  }
0x37: {  	[smem:$0x3FB4] =	sst s10  }
0x38: {  	s10 =	sld [smem:$0x3FB5]  }
0x39: {  	_ = 	snop;
	(pc) =	sbr.ind lr, $3  }
0x3a: {  	_ = 	snop  }
0x3b: {  	_ = 	snop  }
0x3c: {  	p2 =	seq.s32 s10, $0x1;
	s10 =	sld [smem:$0x3FB4]  }
0x3d: {  	_ =	shalt  }
0x3e: {  	_ =	shalt  }
0x3f: {  	_ =	shalt  }
0x40: {  	_ =	shalt  }
0x41: {  	_ =	shalt  }
0x42: {  	_ =	shalt  }
0x43: {  	_ =	shalt  }
0x44: {  	_ =	shalt  }
0x45: {  	_ =	shalt  }
0x46: {  	_ =	shalt  }
0x47: {  	_ =	shalt  }
0x48: {  	_ =	shalt  }
0x49: {  	_ =	shalt  }
0x4a: {  	_ =	shalt  }
0x4b: {  	_ =	shalt  }
0x4c: {  	_ =	shalt  }
0x4d: {  	_ =	shalt  }
0x4e: {  	_ =	shalt  }
0x4f: {  	_ =	shalt  }
0x50: {  	_ =	shalt  }
0x51: {  	_ =	shalt  }
0x52: {  	_ =	shalt  }
0x53: {  	_ =	shalt  }
0x54: {  	_ =	shalt  }
0x55: {  	_ =	shalt  }
0x56: {  	_ =	shalt  }
0x57: {  	_ =	shalt  }
0x58: {  	_ =	shalt  }
0x59: {  	_ =	shalt  }
0x5a: {  	_ =	shalt  }
0x5b: {  	_ =	shalt  }
0x5c: {  	_ =	shalt  }
0x5d: {  	_ =	shalt  }
0x5e: {  	_ =	shalt  }
0x5f: {  	_ =	shalt  }
0x60: {  	_ =	shalt  }
0x61: {  	_ =	shalt  }
0x62: {  	_ =	shalt  }
0x63: {  	_ =	shalt  }
0x64: {  	_ =	shalt  }
0x65: {  	_ =	shalt  }
0x66: {  	_ =	shalt  }
0x67: {  	_ =	shalt  }
0x68: {  	_ =	shalt  }
0x69: {  	_ =	shalt  }
0x6a: {  	_ =	shalt  }
0x6b: {  	_ =	shalt  }
0x6c: {  	_ =	shalt  }
0x6d: {  	_ =	shalt  }
0x6e: {  	_ =	shalt  }
0x6f: {  	_ =	shalt  }
0x70: {  	_ =	shalt  }
0x71: {  	_ =	shalt  }
0x72: {  	_ =	shalt  }
0x73: {  	_ =	shalt  }
0x74: {  	_ =	shalt  }
0x75: {  	_ =	shalt  }
0x76: {  	_ =	shalt  }
0x77: {  	_ =	shalt  }
0x78: {  	_ =	shalt  }
0x79: {  	_ =	shalt  }
0x7a: {  	_ =	shalt  }
0x7b: {  	_ =	shalt  }
0x7c: {  	_ =	shalt  }
0x7d: {  	_ =	shalt  }
0x7e: {  	_ =	shalt  }
0x7f: {  	_ =	shalt  }
0x80: {  	_ =	shalt  }
0x81: {  	_ =	shalt  }
0x82: {  	_ =	shalt  }
0x83: {  	_ =	shalt  }
0x84: {  	_ =	shalt  }
0x85: {  	_ =	shalt  }
0x86: {  	_ =	shalt  }
0x87: {  	_ =	shalt  }
.Lfunc_end0:
.L_simem_size_0:
called_computation_lowered:
.L_overlay_start_0:
0x88: {  	s2 =	sld [smem:$0x3FD9]  }
0x89: {  	s3 =	sld [smem:$0x3FFE];
	_ =	sdelay $0x1  }
0x8a: {  	s1 =	srdreg.scid  }
0x8b: {  	s0 =	sand.u32 $0x1, s1  }
0x8c: {  	s17 =	sshll.u32 s0, $0xA;
	s2 =	sadd.s32 s3, s2  }
0x8d: {  	s2 =	sadd.s32 s2, s17  }
0x8e: {  	[smem:$0x3FC0] =	sst s2  }
0x8f: {  	_ = 	snop  }
0x90: {  	s2 =	sld [smem:$0x3FC7];
	(tm) =	ssettm $0x1  }
0x91: {  	s18 =	sld [smem:$0x3FFB];
	_ =	sdelay $0x3  }
0x92: {  	_ =	strace s18  }
0x93: {  	s3 =	sld [smem:$0x3FFC];
	_ =	sdelay $0x3  }
0x94: {  	_ =	strace s3  }
0x95: {  	s3 =	sld [smem:$0x3FFD];
	_ =	sdelay $0x3  }
0x96: {  	_ =	strace s3  }
0x97: {  	_ =	strace $0x8FFFFFFF  }
0x98: {  	s19 =	sld [smem:$0x3FDB];
	_ =	sdelay $0x1  }
0x99: {  	s4 =	simm.s32 $_scs_section_size  }
0x9a: {  	s5 =	simm.s32 $_size__tile_overlayer_lowered;
	s6 =	simm.s32 $_tile_overlayer_lowered  }
0x9b: {  	s22 =	simm.s32 $0x1BFF;
	s21 =	sshll.u32 s6, $0x1;
	s3 =	sadd.s32 s4, s19  }
0x9c: {  	s7 =	simm.s32 $0x0;
	s20 =	sshll.u32 s5, $0x1;
	s5 =	sadd.s32 s21, s3  }
0x9d: {  	[timem:s7], [sflag:s22] =	dma.local [hbm:s5], s20  }
0x9e: {  	_ =	swait.ge [sflag:s22], s20  }
0x9f: {  	s4 =	ssub.s32 $0x0, s20;
	[sflag:s22] =	ssyncset.done $0x0  }
0xa0: {  	[sflag:s22] =	ssyncadd.s32 s4;
	_ =	sdelay $0x1  }
0xa1: {  	s23 =	simm.s32 $0x1B8B  }
0xa2: {  	_ =	swait.ge [sflag:s23], $0x1  }
0xa3: {  	[sflag:s23] =	ssyncset.done $0x0  }
0xa4: {  	s25 =	simm.s32 $0x1B8E;
	s24 =	sld [smem:$0x3FFE];
	[sflag:s23] =	ssyncadd.s32 $0xFFFFFFFF  }
0xa5: {  	s26 =	simm.s32 $execute0_lowered;
	[smem:$0x3FD2] =	sst s25  }
0xa6: {  	s5 =	sshll.u32 s26, $0x1;
	_ =	strace $0x80000046;
	[dreg:$0x1] =	wrdreg $0xFFFFFFFF  }
0xa7: {  	s28 =	simm.s32 $_size_execute0_lowered;
	s3 =	sadd.s32 s3, s5;
	[dreg:$0x0] =	wrdreg $0x0  }
0xa8: {  	s5 =	sshll.u32 s28, $0x1;
	[dreg:$0x2] =	wrdreg s3  }
0xa9: {  	[dreg:$0x3] =	wrdreg s5  }
0xaa: {  	[dreg:$0x4] =	wrdreg $0xC0  }
0xab: {  	_ =	task [dreg:s7], $0x5FFFF  }
0xac: {  	[dreg:$0x1] =	wrdreg $0xFFFFFFFF  }
0xad: {  	[dreg:$0x0] =	wrdreg $0x60  }
0xae: {  	[dreg:$0x2] =	wrdreg s24  }
0xaf: {  	[dreg:$0x3] =	wrdreg s2  }
0xb0: {  	[dreg:$0x4] =	wrdreg $0x11A300  }
0xb1: {  	[dreg:$0x5] =	wrdreg $0x9  }
0xb2: {  	_ =	task.clear_ibuf [dreg:s7], $0x6FFFF;
	_ =	strace $0x90000046  }
0xb3: {  	s29 =	simm.s32 $0x9;
	_ =	strace $0x80000048  }
0xb4: {  	_ =	swait.ge [sflag:s29], $0x1  }
0xb5: {  	[sflag:s29] =	ssyncadd.s32 $0xFFFFFFFF  }
0xb6: {  	_ =	strace $0x90000048  }
0xb7: {  	_ =	sfence  }
0xb8: {  	s30 =	sld [smem:$0x0];
	_ =	sdelay $0x2  }
0xb9: {  	s31 =	sshll.u32 s1, $0xD;
	s1 =	sshrl.u32 s1, $0x2  }
0xba: {  	s3 =	sand.u32 $0x4000, s31;
	s1 =	sadd.s32 s1, s30  }
0xbb: {  	s0 =	sor.u32 s3, s0;
	s1 =	sshll.u32 s1, $0x11  }
0xbc: {  	s0 =	sor.u32 s1, s0  }
0xbd: {  	s0 =	sadd.s32 $0x8F2B, s0  }
0xbe: {  	[sflag:s0] =	ssyncadd.remote.s32 $0x1  }
0xbf: {  	_ =	sfence.sel $0xFFFF  }
0xc0: {  	[dreg:$0x0] =	wrdreg $0xFFFFFFFF;
	(pc) =	sbr.abs _section_cstart, $3  }
0xc1: {  	[dreg:$0x1] =	wrdreg $0xFFFFFFFF  }
0xc2: {  	_ =	task.clear_ibuf [dreg:s7], $0x2FFFF;
	_ =	strace $0x9FFFFFFF  }
0xc3: {  	(tm) =	ssettm $0x7FFFFFFF  }
tec
execute0_lowered:
.L_overlay_start_1:
0x0: {  	(tag) =	ssettag $0x1  }
0x1: {  	s0 =	rddreg [dreg:$0x0]  }
0x2: {  	s1 =	rddreg [dreg:$0x1]  }
0x3: {  	s2 =	rddreg [dreg:$0x2];
	s3 =	simm.s32 $0x0  }
0x4: {  	s4 =	srdreg.scid;
	s6 =	stileid.u32;
	s29 =	simm.s32 $0x4E20  }
0x5: {  	s12 =	simm.s32 $0x2710;
	s14 =	simm.s32 $0x1;
	s15 =	simm.s32 $0x2  }
0x6: {  	s16 =	simm.s32 $0x3;
	s17 =	simm.s32 $0x6;
	s18 =	simm.s32 $0x190  }
0x7: {  	s19 =	simm.s32 $0x9D30;
	s21 =	simm.s32 $0xB630;
	s23 =	simm.s32 $0xCF30  }
0x8: {  	s28 =	simm.s32 $0x10130;
	s31 =	simm.s32 $0x4;
	s13 =	simm.s32 $0x5  }
0x9: {  	s22 =	simm.s32 $0x7;
	s30 =	simm.s32 $0x9;
	s20 =	simm.s32 $0xA  }
0xa: {  	s24 =	simm.s32 $0x0;
	s5 =	sand.u32 $0x1, s4;
	s25 =	sshll.u32 s6, $0x1  }
0xb: {  	s8 =	smul.u32 $0x2700, s6;
	[smem:$0x7FF] =	sst s3;
	s4 =	sor.u32 s5, s25  }
0xc: {  	s26 =	smul.u32 $0x27100, s5;
	_ =	strace $0x80000047;
	s5 =	ssub.s32 $0x2, s5  }
0xd: {  	s25 =	simm.s32 $0xE830;
	s7 =	smul.u32 $0x2710, s4;
	s9 =	sshrl.u32 s5, $0x1  }
0xe: {  	s4 =	sadd.s32 $0x1000, s0;
	s6 =	sadd.s32 s8, s26;
	s11 =	ssub.s32 s5, s9  }
0xf: {  	s8 =	sadd.s32 s8, s2;
	s7 =	sshrl.u32 s7, $0x3;
	s6 =	sshrl.u32 s6, $0x3  }
0x10: {  	s26 =	simm.s32 $0x8;
	s10 =	sadd.s32 s7, s0;
	s0 =	sadd.s32 s6, s0  }
0x11: {  	s6 =	sadd.s32 s1, s7;
	s1 =	simm.s32 $0xB;
	s5 =	sadd.s32 $0x4F200, s10  }
0x12: {  	v0 =	vimm.f32 $0.0e+00;
	s7 =	sadd.s32 $0x58E40, s10;
	s9 =	sadd.s32 $0x62C00, s0;
	s10 =	smax.u32 s11, $0x1  }
.LBB2_1:
0x13: {  	[tilespmem:s3], [sflag:$0x1] =	stream.linear.gather [hbm4b:s5+s3], $0x2710, $0x38;
	[tilespmem:$0x14140] =	vst v63  }
0x14: {  	_ = 	snop  }
0x15: {  	[tilespmem:s29], [sflag:$0x2] =	stream.linear.gather [hbm4b:s6+s3], $0x2710, $0x38;
	[tilespmem:$0x14140] =	vst v63  }
0x16: {  	s0 =	simm.s32 $0x0;
	s29 =	simm.s32 $0x200  }
0x17: {  	[tilespmem:s12], [sflag:$0x3] =	stream.linear.gather [hbm4b:s7+s3], $0x2710, $0x38;
	[tilespmem:$0x14140] =	vst v63  }
.LBB2_2:
0x18: {  	p0 =	sne.s32 s29, $0x9E00;
	[tilespmem:s0+$0x75A0] =	vst v0  }
0x19: {  	[tilespmem:s0+$0x7530] =	vst v0  }
0x1a: {  	[tilespmem:s0+$0x7540] =	vst v0  }
.Ltmp0:
0x1b: {  	[tilespmem:s0+$0x7550] =	vst v0;
	(pc) =	sbr.rel @p0 .LBB2_2-.Ltmp0, $4  }
0x1c: {  	[tilespmem:s0+$0x7560] =	vst v0  }
0x1d: {  	[tilespmem:s0+$0x7570] =	vst v0  }
0x1e: {  	[tilespmem:s0+$0x7580] =	vst v0  }
0x1f: {  	[tilespmem:s0+$0x7590] =	vst v0;
	s0 =	sshra.s32 s29, $0x2;
	s29 =	sadd.s32 $0x200, s29  }
0x20: {  	[tilespmem:s0+$0x75A0] =	vst v0  }
0x21: {  	[tilespmem:s0+$0x7530] =	vst v0  }
0x22: {  	[tilespmem:s0+$0x7540] =	vst v0  }
0x23: {  	[tilespmem:s0+$0x7550] =	vst v0  }
0x24: {  	[tilespmem:s0+$0x7560] =	vst v0  }
0x25: {  	[tilespmem:s0+$0x7570] =	vst v0  }
0x26: {  	[tilespmem:s0+$0x7580] =	vst v0  }
0x27: {  	[tilespmem:s0+$0x7590] =	vst v0;
	s11 =	simm.s32 $0x7530  }
0x28: {  	[spmem:s8] =	stream.linear.scatter [tilespmem:s11], [sflag:$0x6], $0x2800, $0x38;
	[tilespmem:$0x14140] =	vst v63  }
0x29: {  	_ =	swait.ge [sflag:s14], $0x2710  }
0x2a: {  	[sflag:s14] =	ssyncset.done $0x0  }
0x2b: {  	[sflag:s14] =	ssyncadd.s32 $0xFFFFD8F0  }
0x2c: {  	_ =	swait.ge [sflag:s15], $0x2710  }
0x2d: {  	[sflag:s15] =	ssyncset.done $0x0  }
0x2e: {  	s29 =	simm.s32 $0x0;
	[sflag:s15] =	ssyncadd.s32 $0xFFFFD8F0  }
0x2f: {  	v5 =	vld [tilespmem:s29+$0x0]  }
0x30: {  	v4 =	vld [tilespmem:s29+$0x10]  }
0x31: {  	v3 =	vld [tilespmem:s29+$0x20]  }
0x32: {  	v2 =	vld [tilespmem:s29+$0x30]  }
0x33: {  	v1 =	vld [tilespmem:s29+$0x40]  }
0x34: {  	v8 =	vld [tilespmem:s29+$0x4E20]  }
0x35: {  	v7 =	vld [tilespmem:s29+$0x4E30]  }
0x36: {  	s0 =	simm.s32 $0x140;
	v6 =	vld [tilespmem:s29+$0x4E40]  }
.LBB2_4:
0x37: {  	p0 =	sne.s32 s0, $0x9B00;
	v9 =	vld [tilespmem:s29+$0x4E50]  }
0x38: {  	s11 =	sshra.s32 s0, $0x2;
	v10 =	vshll.u32 v5, $0x4;
	v11 =	vld [tilespmem:s29+$0x4E60]  }
0x39: {  	v5 =	vld [tilespmem:s11+$0x0];
	v8 =	vadd.s32 v8, v10;
	v10 =	vshll.u32 v4, $0x4  }
0x3a: {  	v4 =	vld [tilespmem:s11+$0x10];
	[tilespmem:s29+$0x4E20] =	vst v8;
	v7 =	vadd.s32 v7, v10;
	v8 =	vshll.u32 v3, $0x4  }
0x3b: {  	v3 =	vld [tilespmem:s11+$0x20];
	[tilespmem:s29+$0x4E30] =	vst v7;
	v6 =	vadd.s32 v6, v8;
	v7 =	vshll.u32 v2, $0x4  }
.Ltmp1:
0x3c: {  	v2 =	vld [tilespmem:s11+$0x30];
	[tilespmem:s29+$0x4E40] =	vst v6;
	v6 =	vadd.s32 v9, v7;
	v7 =	vshll.u32 v1, $0x4;
	(pc) =	sbr.rel @p0 .LBB2_4-.Ltmp1, $4  }
0x3d: {  	v1 =	vld [tilespmem:s11+$0x40];
	[tilespmem:s29+$0x4E50] =	vst v6;
	v6 =	vadd.s32 v11, v7  }
0x3e: {  	v8 =	vld [tilespmem:s11+$0x4E20];
	[tilespmem:s29+$0x4E60] =	vst v6;
	s29 =	smov.u32 s11  }
0x3f: {  	v7 =	vld [tilespmem:s29+$0x4E30]  }
0x40: {  	s0 =	sadd.s32 $0x140, s0;
	v6 =	vld [tilespmem:s29+$0x4E40]  }
0x41: {  	v9 =	vld [tilespmem:s29+$0x4E50]  }
0x42: {  	v5 =	vshll.u32 v5, $0x4;
	v10 =	vld [tilespmem:s29+$0x4E60]  }
0x43: {  	v4 =	vshll.u32 v4, $0x4;
	v5 =	vadd.s32 v8, v5  }
0x44: {  	v3 =	vshll.u32 v3, $0x4;
	[tilespmem:s29+$0x4E20] =	vst v5;
	v4 =	vadd.s32 v7, v4  }
0x45: {  	v2 =	vshll.u32 v2, $0x4;
	[tilespmem:s29+$0x4E30] =	vst v4;
	v3 =	vadd.s32 v6, v3  }
0x46: {  	v1 =	vshll.u32 v1, $0x4;
	[tilespmem:s29+$0x4E40] =	vst v3;
	v2 =	vadd.s32 v9, v2  }
0x47: {  	v1 =	vadd.s32 v10, v1;
	[tilespmem:s29+$0x4E50] =	vst v2  }
0x48: {  	[tilespmem:s29+$0x4E60] =	vst v1  }
0x49: {  	_ =	swait.ge [sflag:s16], $0x2710  }
0x4a: {  	[sflag:s16] =	ssyncset.done $0x0  }
0x4b: {  	[sflag:s16] =	ssyncadd.s32 $0xFFFFD8F0  }
0x4c: {  	_ =	swait.ge [sflag:s17], $0x2800  }
0x4d: {  	[sflag:s17] =	ssyncset.done $0x0  }
0x4e: {  	[sflag:s17] =	ssyncadd.s32 $0xFFFFD800  }
0x4f: {  	s29 =	simm.s32 $0x4E20;
	[bflag:$0x0] =	sbarrier.arrive $0xFFFF  }
0x50: {  	[tilespmem:s19], [sflag:$0x1] =	stream.indirect.gather [hbm4b:s4+s18], $0x10, s29, s18, $0xb8;
	[tilespmem:$0x14140] =	vst v63  }
0x51: {  	s0 =	simm.s32 $0x4FB0  }
0x52: {  	[tilespmem:s21], [sflag:$0x2] =	stream.indirect.gather [hbm4b:s4+s18], $0x10, s0, s18, $0xb8;
	[tilespmem:$0x14140] =	vst v63  }
0x53: {  	s11 =	simm.s32 $0x5140  }
0x54: {  	[tilespmem:s23], [sflag:$0x3] =	stream.indirect.gather [hbm4b:s4+s18], $0x10, s11, s18, $0xb8;
	[tilespmem:$0x14140] =	vst v63  }
0x55: {  	s11 =	simm.s32 $0x52D0  }
0x56: {  	[tilespmem:s25], [sflag:$0x4] =	stream.indirect.gather [hbm4b:s4+s18], $0x10, s11, s18, $0xb8;
	[tilespmem:$0x14140] =	vst v63  }
0x57: {  	s11 =	simm.s32 $0x5460  }
0x58: {  	[tilespmem:s28], [sflag:$0x5] =	stream.indirect.gather [hbm4b:s4+s18], $0x10, s11, s18, $0xb8;
	[tilespmem:$0x14140] =	vst v63  }
0x59: {  	_ =	swait.ge [sflag:s14], $0x1900  }
0x5a: {  	[sflag:s14] =	ssyncset.done $0x0  }
0x5b: {  	[sflag:s14] =	ssyncadd.s32 $0xFFFFE700  }
0x5c: {  	[spmem:s2] =	stream.indirect.scatter.add.f32 [tilespmem:s19], [sflag:$0x6], $0x10, s12, s18, $0xb8;
	[tilespmem:$0x14140] =	vst v63  }
0x5d: {  	_ =	swait.ge [sflag:s15], $0x1900  }
0x5e: {  	[sflag:s15] =	ssyncset.done $0x0  }
0x5f: {  	s11 =	simm.s32 $0x28A0;
	[sflag:s15] =	ssyncadd.s32 $0xFFFFE700  }
0x60: {  	[spmem:s2] =	stream.indirect.scatter.add.f32 [tilespmem:s21], [sflag:$0x7], $0x10, s11, s18, $0xb8;
	[tilespmem:$0x14140] =	vst v63  }
0x61: {  	_ =	swait.ge [sflag:s16], $0x1900  }
0x62: {  	[sflag:s16] =	ssyncset.done $0x0  }
0x63: {  	s11 =	simm.s32 $0x2A30;
	[sflag:s16] =	ssyncadd.s32 $0xFFFFE700  }
0x64: {  	[spmem:s2] =	stream.indirect.scatter.add.f32 [tilespmem:s23], [sflag:$0x8], $0x10, s11, s18, $0xb8;
	[tilespmem:$0x14140] =	vst v63  }
0x65: {  	_ =	swait.ge [sflag:s31], $0x1900  }
0x66: {  	[sflag:s31] =	ssyncset.done $0x0  }
0x67: {  	s11 =	simm.s32 $0x2BC0;
	[sflag:s31] =	ssyncadd.s32 $0xFFFFE700  }
0x68: {  	[spmem:s2] =	stream.indirect.scatter.add.f32 [tilespmem:s25], [sflag:$0x9], $0x10, s11, s18, $0xb8;
	[tilespmem:$0x14140] =	vst v63  }
0x69: {  	_ =	swait.ge [sflag:s13], $0x1900  }
0x6a: {  	[sflag:s13] =	ssyncset.done $0x0  }
0x6b: {  	s11 =	simm.s32 $0x2D50;
	[sflag:s13] =	ssyncadd.s32 $0xFFFFE700  }
0x6c: {  	[spmem:s2] =	stream.indirect.scatter.add.f32 [tilespmem:s28], [sflag:$0xA], $0x10, s11, s18, $0xb8;
	[tilespmem:$0x14140] =	vst v63  }
0x6d: {  	_ =	swait.ge [sflag:s17], $0x1900  }
0x6e: {  	[sflag:s17] =	ssyncset.done $0x0  }
0x6f: {  	s11 =	simm.s32 $0x55F0;
	[sflag:s17] =	ssyncadd.s32 $0xFFFFE700  }
0x70: {  	[tilespmem:s19], [sflag:$0x1] =	stream.indirect.gather [hbm4b:s4+s18], $0x10, s11, s18, $0xb8;
	[tilespmem:$0x14140] =	vst v63  }
0x71: {  	_ =	swait.ge [sflag:s22], $0x1900  }
0x72: {  	[sflag:s22] =	ssyncset.done $0x0  }
0x73: {  	s11 =	simm.s32 $0x5780;
	[sflag:s22] =	ssyncadd.s32 $0xFFFFE700  }
0x74: {  	[tilespmem:s21], [sflag:$0x2] =	stream.indirect.gather [hbm4b:s4+s18], $0x10, s11, s18, $0xb8;
	[tilespmem:$0x14140] =	vst v63  }
0x75: {  	_ =	swait.ge [sflag:s26], $0x1900  }
0x76: {  	[sflag:s26] =	ssyncset.done $0x0  }
0x77: {  	s11 =	simm.s32 $0x5910;
	[sflag:s26] =	ssyncadd.s32 $0xFFFFE700  }
0x78: {  	[tilespmem:s23], [sflag:$0x3] =	stream.indirect.gather [hbm4b:s4+s18], $0x10, s11, s18, $0xb8;
	[tilespmem:$0x14140] =	vst v63  }
0x79: {  	_ =	swait.ge [sflag:s30], $0x1900  }
0x7a: {  	[sflag:s30] =	ssyncset.done $0x0  }
0x7b: {  	s11 =	simm.s32 $0x5AA0;
	[sflag:s30] =	ssyncadd.s32 $0xFFFFE700  }
0x7c: {  	[tilespmem:s25], [sflag:$0x4] =	stream.indirect.gather [hbm4b:s4+s18], $0x10, s11, s18, $0xb8;
	[tilespmem:$0x14140] =	vst v63  }
0x7d: {  	_ =	swait.ge [sflag:s20], $0x1900  }
0x7e: {  	[sflag:s20] =	ssyncset.done $0x0  }
0x7f: {  	s11 =	simm.s32 $0x5C30;
	[sflag:s20] =	ssyncadd.s32 $0xFFFFE700  }
0x80: {  	[tilespmem:s28], [sflag:$0x5] =	stream.indirect.gather [hbm4b:s4+s18], $0x10, s11, s18, $0xb8;
	[tilespmem:$0x14140] =	vst v63  }
0x81: {  	_ =	swait.ge [sflag:s14], $0x1900  }
0x82: {  	[sflag:s14] =	ssyncset.done $0x0  }
0x83: {  	s11 =	simm.s32 $0x2EE0;
	[sflag:s14] =	ssyncadd.s32 $0xFFFFE700  }
0x84: {  	[spmem:s2] =	stream.indirect.scatter.add.f32 [tilespmem:s19], [sflag:$0x6], $0x10, s11, s18, $0xb8;
	[tilespmem:$0x14140] =	vst v63  }
0x85: {  	_ =	swait.ge [sflag:s15], $0x1900  }
0x86: {  	[sflag:s15] =	ssyncset.done $0x0  }
0x87: {  	s11 =	simm.s32 $0x3070;
	[sflag:s15] =	ssyncadd.s32 $0xFFFFE700  }
0x88: {  	[spmem:s2] =	stream.indirect.scatter.add.f32 [tilespmem:s21], [sflag:$0x7], $0x10, s11, s18, $0xb8;
	[tilespmem:$0x14140] =	vst v63  }
0x89: {  	_ =	swait.ge [sflag:s16], $0x1900  }
0x8a: {  	[sflag:s16] =	ssyncset.done $0x0  }
0x8b: {  	s11 =	simm.s32 $0x3200;
	[sflag:s16] =	ssyncadd.s32 $0xFFFFE700  }
0x8c: {  	[spmem:s2] =	stream.indirect.scatter.add.f32 [tilespmem:s23], [sflag:$0x8], $0x10, s11, s18, $0xb8;
	[tilespmem:$0x14140] =	vst v63  }
0x8d: {  	_ =	swait.ge [sflag:s31], $0x1900  }
0x8e: {  	[sflag:s31] =	ssyncset.done $0x0  }
0x8f: {  	s11 =	simm.s32 $0x3390;
	[sflag:s31] =	ssyncadd.s32 $0xFFFFE700  }
0x90: {  	[spmem:s2] =	stream.indirect.scatter.add.f32 [tilespmem:s25], [sflag:$0x9], $0x10, s11, s18, $0xb8;
	[tilespmem:$0x14140] =	vst v63  }
0x91: {  	_ =	swait.ge [sflag:s13], $0x1900  }
0x92: {  	[sflag:s13] =	ssyncset.done $0x0  }
0x93: {  	s11 =	simm.s32 $0x3520;
	[sflag:s13] =	ssyncadd.s32 $0xFFFFE700  }
0x94: {  	[spmem:s2] =	stream.indirect.scatter.add.f32 [tilespmem:s28], [sflag:$0xA], $0x10, s11, s18, $0xb8;
	[tilespmem:$0x14140] =	vst v63  }
0x95: {  	_ =	swait.ge [sflag:s17], $0x1900  }
0x96: {  	[sflag:s17] =	ssyncset.done $0x0  }
0x97: {  	s11 =	simm.s32 $0x5DC0;
	[sflag:s17] =	ssyncadd.s32 $0xFFFFE700  }
0x98: {  	[tilespmem:s19], [sflag:$0x1] =	stream.indirect.gather [hbm4b:s4+s18], $0x10, s11, s18, $0xb8;
	[tilespmem:$0x14140] =	vst v63  }
0x99: {  	_ =	swait.ge [sflag:s22], $0x1900  }
0x9a: {  	[sflag:s22] =	ssyncset.done $0x0  }
0x9b: {  	s11 =	simm.s32 $0x5F50;
	[sflag:s22] =	ssyncadd.s32 $0xFFFFE700  }
0x9c: {  	[tilespmem:s21], [sflag:$0x2] =	stream.indirect.gather [hbm4b:s4+s18], $0x10, s11, s18, $0xb8;
	[tilespmem:$0x14140] =	vst v63  }
0x9d: {  	_ =	swait.ge [sflag:s26], $0x1900  }
0x9e: {  	[sflag:s26] =	ssyncset.done $0x0  }
0x9f: {  	s11 =	simm.s32 $0x60E0;
	[sflag:s26] =	ssyncadd.s32 $0xFFFFE700  }
0xa0: {  	[tilespmem:s23], [sflag:$0x3] =	stream.indirect.gather [hbm4b:s4+s18], $0x10, s11, s18, $0xb8;
	[tilespmem:$0x14140] =	vst v63  }
0xa1: {  	_ =	swait.ge [sflag:s30], $0x1900  }
0xa2: {  	[sflag:s30] =	ssyncset.done $0x0  }
0xa3: {  	s11 =	simm.s32 $0x6270;
	[sflag:s30] =	ssyncadd.s32 $0xFFFFE700  }
0xa4: {  	[tilespmem:s25], [sflag:$0x4] =	stream.indirect.gather [hbm4b:s4+s18], $0x10, s11, s18, $0xb8;
	[tilespmem:$0x14140] =	vst v63  }
0xa5: {  	_ =	swait.ge [sflag:s20], $0x1900  }
0xa6: {  	[sflag:s20] =	ssyncset.done $0x0  }
0xa7: {  	s11 =	simm.s32 $0x6400;
	[sflag:s20] =	ssyncadd.s32 $0xFFFFE700  }
0xa8: {  	[tilespmem:s28], [sflag:$0x5] =	stream.indirect.gather [hbm4b:s4+s18], $0x10, s11, s18, $0xb8;
	[tilespmem:$0x14140] =	vst v63  }
0xa9: {  	_ =	swait.ge [sflag:s14], $0x1900  }
0xaa: {  	[sflag:s14] =	ssyncset.done $0x0  }
0xab: {  	s11 =	simm.s32 $0x36B0;
	[sflag:s14] =	ssyncadd.s32 $0xFFFFE700  }
0xac: {  	[spmem:s2] =	stream.indirect.scatter.add.f32 [tilespmem:s19], [sflag:$0x6], $0x10, s11, s18, $0xb8;
	[tilespmem:$0x14140] =	vst v63  }
0xad: {  	_ =	swait.ge [sflag:s15], $0x1900  }
0xae: {  	[sflag:s15] =	ssyncset.done $0x0  }
0xaf: {  	s11 =	simm.s32 $0x3840;
	[sflag:s15] =	ssyncadd.s32 $0xFFFFE700  }
0xb0: {  	[spmem:s2] =	stream.indirect.scatter.add.f32 [tilespmem:s21], [sflag:$0x7], $0x10, s11, s18, $0xb8;
	[tilespmem:$0x14140] =	vst v63  }
0xb1: {  	_ =	swait.ge [sflag:s16], $0x1900  }
0xb2: {  	[sflag:s16] =	ssyncset.done $0x0  }
0xb3: {  	s11 =	simm.s32 $0x39D0;
	[sflag:s16] =	ssyncadd.s32 $0xFFFFE700  }
0xb4: {  	[spmem:s2] =	stream.indirect.scatter.add.f32 [tilespmem:s23], [sflag:$0x8], $0x10, s11, s18, $0xb8;
	[tilespmem:$0x14140] =	vst v63  }
0xb5: {  	_ =	swait.ge [sflag:s31], $0x1900  }
0xb6: {  	[sflag:s31] =	ssyncset.done $0x0  }
0xb7: {  	s11 =	simm.s32 $0x3B60;
	[sflag:s31] =	ssyncadd.s32 $0xFFFFE700  }
0xb8: {  	[spmem:s2] =	stream.indirect.scatter.add.f32 [tilespmem:s25], [sflag:$0x9], $0x10, s11, s18, $0xb8;
	[tilespmem:$0x14140] =	vst v63  }
0xb9: {  	_ =	swait.ge [sflag:s13], $0x1900  }
0xba: {  	[sflag:s13] =	ssyncset.done $0x0  }
0xbb: {  	s11 =	simm.s32 $0x3CF0;
	[sflag:s13] =	ssyncadd.s32 $0xFFFFE700  }
0xbc: {  	[spmem:s2] =	stream.indirect.scatter.add.f32 [tilespmem:s28], [sflag:$0xA], $0x10, s11, s18, $0xb8;
	[tilespmem:$0x14140] =	vst v63  }
0xbd: {  	_ =	swait.ge [sflag:s17], $0x1900  }
0xbe: {  	[sflag:s17] =	ssyncset.done $0x0  }
0xbf: {  	s11 =	simm.s32 $0x6590;
	[sflag:s17] =	ssyncadd.s32 $0xFFFFE700  }
0xc0: {  	[tilespmem:s19], [sflag:$0x1] =	stream.indirect.gather [hbm4b:s4+s18], $0x10, s11, s18, $0xb8;
	[tilespmem:$0x14140] =	vst v63  }
0xc1: {  	_ =	swait.ge [sflag:s22], $0x1900  }
0xc2: {  	[sflag:s22] =	ssyncset.done $0x0  }
0xc3: {  	s11 =	simm.s32 $0x6720;
	[sflag:s22] =	ssyncadd.s32 $0xFFFFE700  }
0xc4: {  	[tilespmem:s21], [sflag:$0x2] =	stream.indirect.gather [hbm4b:s4+s18], $0x10, s11, s18, $0xb8;
	[tilespmem:$0x14140] =	vst v63  }
0xc5: {  	_ =	swait.ge [sflag:s26], $0x1900  }
0xc6: {  	[sflag:s26] =	ssyncset.done $0x0  }
0xc7: {  	s11 =	simm.s32 $0x68B0;
	[sflag:s26] =	ssyncadd.s32 $0xFFFFE700  }
0xc8: {  	[tilespmem:s23], [sflag:$0x3] =	stream.indirect.gather [hbm4b:s4+s18], $0x10, s11, s18, $0xb8;
	[tilespmem:$0x14140] =	vst v63  }
0xc9: {  	_ =	swait.ge [sflag:s30], $0x1900  }
0xca: {  	[sflag:s30] =	ssyncset.done $0x0  }
0xcb: {  	s11 =	simm.s32 $0x6A40;
	[sflag:s30] =	ssyncadd.s32 $0xFFFFE700  }
0xcc: {  	[tilespmem:s25], [sflag:$0x4] =	stream.indirect.gather [hbm4b:s4+s18], $0x10, s11, s18, $0xb8;
	[tilespmem:$0x14140] =	vst v63  }
0xcd: {  	_ =	swait.ge [sflag:s20], $0x1900  }
0xce: {  	[sflag:s20] =	ssyncset.done $0x0  }
0xcf: {  	s11 =	simm.s32 $0x6BD0;
	[sflag:s20] =	ssyncadd.s32 $0xFFFFE700  }
0xd0: {  	[tilespmem:s28], [sflag:$0x5] =	stream.indirect.gather [hbm4b:s4+s18], $0x10, s11, s18, $0xb8;
	[tilespmem:$0x14140] =	vst v63  }
0xd1: {  	_ =	swait.ge [sflag:s14], $0x1900  }
0xd2: {  	[sflag:s14] =	ssyncset.done $0x0  }
0xd3: {  	s11 =	simm.s32 $0x3E80;
	[sflag:s14] =	ssyncadd.s32 $0xFFFFE700  }
0xd4: {  	[spmem:s2] =	stream.indirect.scatter.add.f32 [tilespmem:s19], [sflag:$0x6], $0x10, s11, s18, $0xb8;
	[tilespmem:$0x14140] =	vst v63  }
0xd5: {  	_ =	swait.ge [sflag:s15], $0x1900  }
0xd6: {  	[sflag:s15] =	ssyncset.done $0x0  }
0xd7: {  	s11 =	simm.s32 $0x4010;
	[sflag:s15] =	ssyncadd.s32 $0xFFFFE700  }
0xd8: {  	[spmem:s2] =	stream.indirect.scatter.add.f32 [tilespmem:s21], [sflag:$0x7], $0x10, s11, s18, $0xb8;
	[tilespmem:$0x14140] =	vst v63  }
0xd9: {  	_ =	swait.ge [sflag:s16], $0x1900  }
0xda: {  	[sflag:s16] =	ssyncset.done $0x0  }
0xdb: {  	s11 =	simm.s32 $0x41A0;
	[sflag:s16] =	ssyncadd.s32 $0xFFFFE700  }
0xdc: {  	[spmem:s2] =	stream.indirect.scatter.add.f32 [tilespmem:s23], [sflag:$0x8], $0x10, s11, s18, $0xb8;
	[tilespmem:$0x14140] =	vst v63  }
0xdd: {  	_ =	swait.ge [sflag:s31], $0x1900  }
0xde: {  	[sflag:s31] =	ssyncset.done $0x0  }
0xdf: {  	s11 =	simm.s32 $0x4330;
	[sflag:s31] =	ssyncadd.s32 $0xFFFFE700  }
0xe0: {  	[spmem:s2] =	stream.indirect.scatter.add.f32 [tilespmem:s25], [sflag:$0x9], $0x10, s11, s18, $0xb8;
	[tilespmem:$0x14140] =	vst v63  }
0xe1: {  	_ =	swait.ge [sflag:s13], $0x1900  }
0xe2: {  	[sflag:s13] =	ssyncset.done $0x0  }
0xe3: {  	s11 =	simm.s32 $0x44C0;
	[sflag:s13] =	ssyncadd.s32 $0xFFFFE700  }
0xe4: {  	[spmem:s2] =	stream.indirect.scatter.add.f32 [tilespmem:s28], [sflag:$0xA], $0x10, s11, s18, $0xb8;
	[tilespmem:$0x14140] =	vst v63  }
0xe5: {  	_ =	swait.ge [sflag:s17], $0x1900  }
0xe6: {  	[sflag:s17] =	ssyncset.done $0x0  }
0xe7: {  	s11 =	simm.s32 $0x6D60;
	[sflag:s17] =	ssyncadd.s32 $0xFFFFE700  }
0xe8: {  	[tilespmem:s19], [sflag:$0x1] =	stream.indirect.gather [hbm4b:s4+s18], $0x10, s11, s18, $0xb8;
	[tilespmem:$0x14140] =	vst v63  }
0xe9: {  	_ =	swait.ge [sflag:s22], $0x1900  }
0xea: {  	[sflag:s22] =	ssyncset.done $0x0  }
0xeb: {  	s11 =	simm.s32 $0x6EF0;
	[sflag:s22] =	ssyncadd.s32 $0xFFFFE700  }
0xec: {  	[tilespmem:s21], [sflag:$0x2] =	stream.indirect.gather [hbm4b:s4+s18], $0x10, s11, s18, $0xb8;
	[tilespmem:$0x14140] =	vst v63  }
0xed: {  	_ =	swait.ge [sflag:s26], $0x1900  }
0xee: {  	[sflag:s26] =	ssyncset.done $0x0  }
0xef: {  	s11 =	simm.s32 $0x7080;
	[sflag:s26] =	ssyncadd.s32 $0xFFFFE700  }
0xf0: {  	[tilespmem:s23], [sflag:$0x3] =	stream.indirect.gather [hbm4b:s4+s18], $0x10, s11, s18, $0xb8;
	[tilespmem:$0x14140] =	vst v63  }
0xf1: {  	_ =	swait.ge [sflag:s30], $0x1900  }
0xf2: {  	[sflag:s30] =	ssyncset.done $0x0  }
0xf3: {  	s11 =	simm.s32 $0x7210;
	[sflag:s30] =	ssyncadd.s32 $0xFFFFE700  }
0xf4: {  	[tilespmem:s25], [sflag:$0x4] =	stream.indirect.gather [hbm4b:s4+s18], $0x10, s11, s18, $0xb8;
	[tilespmem:$0x14140] =	vst v63  }
0xf5: {  	_ =	swait.ge [sflag:s20], $0x1900  }
0xf6: {  	[sflag:s20] =	ssyncset.done $0x0  }
0xf7: {  	s11 =	simm.s32 $0x73A0;
	[sflag:s20] =	ssyncadd.s32 $0xFFFFE700  }
0xf8: {  	[tilespmem:s28], [sflag:$0x5] =	stream.indirect.gather [hbm4b:s4+s18], $0x10, s11, s18, $0xb8;
	[tilespmem:$0x14140] =	vst v63  }
0xf9: {  	_ =	swait.ge [sflag:s14], $0x1900  }
0xfa: {  	[sflag:s14] =	ssyncset.done $0x0  }
0xfb: {  	s11 =	simm.s32 $0x4650;
	[sflag:s14] =	ssyncadd.s32 $0xFFFFE700  }
0xfc: {  	[spmem:s2] =	stream.indirect.scatter.add.f32 [tilespmem:s19], [sflag:$0x6], $0x10, s11, s18, $0xb8;
	[tilespmem:$0x14140] =	vst v63  }
0xfd: {  	_ =	swait.ge [sflag:s15], $0x1900  }
0xfe: {  	[sflag:s15] =	ssyncset.done $0x0  }
0xff: {  	s11 =	simm.s32 $0x47E0;
	[sflag:s15] =	ssyncadd.s32 $0xFFFFE700  }
0x100: {  	[spmem:s2] =	stream.indirect.scatter.add.f32 [tilespmem:s21], [sflag:$0x7], $0x10, s11, s18, $0xb8;
	[tilespmem:$0x14140] =	vst v63  }
0x101: {  	_ =	swait.ge [sflag:s16], $0x1900  }
0x102: {  	[sflag:s16] =	ssyncset.done $0x0  }
0x103: {  	s11 =	simm.s32 $0x4970;
	[sflag:s16] =	ssyncadd.s32 $0xFFFFE700  }
0x104: {  	[spmem:s2] =	stream.indirect.scatter.add.f32 [tilespmem:s23], [sflag:$0x8], $0x10, s11, s18, $0xb8;
	[tilespmem:$0x14140] =	vst v63  }
0x105: {  	_ =	swait.ge [sflag:s31], $0x1900  }
0x106: {  	[sflag:s31] =	ssyncset.done $0x0  }
0x107: {  	s11 =	simm.s32 $0x4B00;
	[sflag:s31] =	ssyncadd.s32 $0xFFFFE700  }
0x108: {  	[spmem:s2] =	stream.indirect.scatter.add.f32 [tilespmem:s25], [sflag:$0x9], $0x10, s11, s18, $0xb8;
	[tilespmem:$0x14140] =	vst v63  }
0x109: {  	_ =	swait.ge [sflag:s13], $0x1900  }
0x10a: {  	[sflag:s13] =	ssyncset.done $0x0  }
0x10b: {  	s11 =	simm.s32 $0x4C90;
	[sflag:s13] =	ssyncadd.s32 $0xFFFFE700  }
0x10c: {  	[spmem:s2] =	stream.indirect.scatter.add.f32 [tilespmem:s28], [sflag:$0xA], $0x10, s11, s18, $0xb8;
	[tilespmem:$0x14140] =	vst v63  }
0x10d: {  	_ =	swait.ge [sflag:s17], $0x1900  }
0x10e: {  	[sflag:s17] =	ssyncset.done $0x0  }
0x10f: {  	[sflag:s17] =	ssyncadd.s32 $0xFFFFE700  }
0x110: {  	_ =	swait.ge [sflag:s22], $0x1900  }
0x111: {  	[sflag:s22] =	ssyncset.done $0x0  }
0x112: {  	[sflag:s22] =	ssyncadd.s32 $0xFFFFE700  }
0x113: {  	_ =	swait.ge [sflag:s26], $0x1900  }
0x114: {  	[sflag:s26] =	ssyncset.done $0x0  }
0x115: {  	[sflag:s26] =	ssyncadd.s32 $0xFFFFE700  }
0x116: {  	_ =	swait.ge [sflag:s30], $0x1900  }
0x117: {  	[sflag:s30] =	ssyncset.done $0x0  }
0x118: {  	[sflag:s30] =	ssyncadd.s32 $0xFFFFE700  }
0x119: {  	s24 =	sadd.s32 $0x1, s24;
	_ =	swait.ge [sflag:s20], $0x1900  }
0x11a: {  	p0 =	sne.s32 s24, s10;
	s11 =	stileid.u32;
	[sflag:s20] =	ssyncset.done $0x0  }
0x11b: {  	s0 =	sshll.u32 s11, $0x6;
	s11 =	sshrl.u32 s8, $0x3;
	[sflag:s20] =	ssyncadd.s32 $0xFFFFE700  }
.Ltmp2:
0x11c: {  	s0 =	sor.u32 $0x1C0B, s0;
	[bflag:$0x0] =	sbarrier.arrive $0xFFFF;
	(pc) =	sbr.rel @p0 .LBB2_1-.Ltmp2, $4  }
0x11d: {  	[hbm:s9], [sflag:s0] =	dma.local [spmem:s11], $0x500  }
0x11e: {  	_ =	swait.ge [sflag:s1], $0x500  }
0x11f: {  	[sflag:s1] =	ssyncset.done $0x0  }
0x120: {  	[sflag:s1] =	ssyncadd.s32 $0xFFFFFB00  }
0x121: {  	_ =	sfence.sel $0x180000  }
0x122: {  	[bflag:$0x0] =	sbarrier.arrive $0xFFFF  }
0x123: {  	_ =	strace $0x90000047  }
0x124: {  	s0 =	stileid.u32;
	[bflag:$0x2] =	sbarrier.arrive $0xFFFF  }
0x125: {  	p0 =	sne.s32 s0, $0x0;
	s0 =	rddreg [dreg:$0x3]  }
0x126: {  	s0 =	sadd.s32 @!p0 $0x100000, s0  }
0x127: {  	[sflag:s0] =	ssyncadd.tile.s32 @!p0 $0x1;
	_ =	shalt  }
.Lfunc_end2:
_tile_overlayer_lowered:
.L_overlay_start_2:
0x128: {  	(tag) =	ssettag $0x2  }
0x129: {  	s0 =	rddreg [dreg:$0x0];
	s2 =	stileid.u32  }
0x12a: {  	s1 =	rddreg [dreg:$0x1];
	p0 =	sne.s32 s2, $0x0  }
0x12b: {  	s3 =	rddreg [dreg:$0x2];
	[bflag:$0x3] =	sbarrier.arrive $0xFFFF;
	s2 =	simm.s32 @!p0 $0x1C0B  }
0x12c: {  	[timem:s3], [sflag:s2] =	dma.local @!p0 [hbm:s0], s1  }
0x12d: {  	s0 =	simm.s32 @!p0 $0xB  }
0x12e: {  	_ =	swait.ge @!p0 [sflag:s0], s1  }
0x12f: {  	s1 =	ssub.s32 @!p0 $0x0, s1;
	[sflag:s0] =	ssyncset.done @!p0 $0x0  }
0x130: {  	[sflag:s0] =	ssyncadd.s32 @!p0 s1  }
0x131: {  	[bflag:$0x3] =	sbarrier.arrive $0xFFFF  }
0x132: {  	_ =	shalt  }

</sc_bundles>
